<compile_context>
chip_gen: v7x
topology: tpu7x:2x2x1
jax: 0.10.2.dev20260603
libtpu: 0.0.44.dev20260713+nightly
codegen_flags: <defaults>
</compile_context>

<pallas_src>
import functools
import jax
import jax.numpy as jnp
from jax import lax
from jax.experimental import pallas as pl
from jax.experimental.pallas import tpu as pltpu, tpu_sc as plsc

_ANG = 1e-10
_K_COUL = 8987551792.3
_E_CH = 1.602176634e-19
_EV = 1.602176634e-19
_BETA = 18.7
_R0_ANG = 2.2

_N_NODES = 100000
_N_EDGES = 6400000
_N_GRAPHS = 128

_CE = 0.5 * _K_COUL * _E_CH * _E_CH / (_EV * _ANG)
_DSLOPE = _BETA / _R0_ANG

_LANES = 16
_CH = 4000
_NP = 100096


def _rsqrt16(r2):
    i = lax.bitcast_convert_type(r2, jnp.int32)
    i = jnp.int32(0x5F3759DF) - lax.shift_right_arithmetic(i, 1)
    y = lax.bitcast_convert_type(i, jnp.float32)
    half = r2 * jnp.float32(0.5)
    for _ in range(3):
        y = y * (jnp.float32(1.5) - half * y * y)
    return y


def _make_sc_kernel():
    info = plsc.get_sparse_core_info()
    nc, ns = info.num_cores, info.num_subcores
    nw = nc * ns
    epw = _N_EDGES // nw
    nchunks = epw // _CH
    sl = _NP // ns
    mesh = plsc.VectorSubcoreMesh(core_axis_name="c", subcore_axis_name="s")

    @functools.partial(
        pl.kernel,
        mesh=mesh,
        out_type=jax.ShapeDtypeStruct((nc * 4 * _NP,), jnp.float32),
        scratch_types=[
            pltpu.VMEM((_CH,), jnp.int32),
            pltpu.VMEM((_CH,), jnp.int32),
            pltpu.VMEM((2 * _CH,), jnp.int32),
            pltpu.VMEM((_CH,), jnp.float32),
            pltpu.VMEM((_CH,), jnp.float32),
            pltpu.VMEM((_CH,), jnp.float32),
            pltpu.VMEM((_CH,), jnp.float32),
            pltpu.VMEM((_CH,), jnp.float32),
            pltpu.VMEM((_CH,), jnp.float32),
            pltpu.VMEM((2 * _CH,), jnp.float32),
            pltpu.VMEM((2 * _CH,), jnp.float32),
            pltpu.VMEM((2 * _CH,), jnp.float32),
            pltpu.VMEM((sl,), jnp.float32),
            pltpu.VMEM_SHARED((_NP,), jnp.float32),
            pltpu.VMEM_SHARED((_NP,), jnp.float32),
            pltpu.VMEM_SHARED((_NP,), jnp.float32),
            pltpu.VMEM_SHARED((_NP,), jnp.float32),
            pltpu.SemaphoreType.DMA,
        ],
    )
    def sc_kernel(xs_hbm, ys_hbm, zs_hbm, row_hbm, col_hbm, q_hbm, out_hbm,
                  row_v, col_v, idx2_v, xs_v, ys_v, zs_v, qr_v, qc_v,
                  pe_v, pfx_v, pfy_v, pfz_v, zbuf, acc_e, acc_x, acc_y,
                  acc_z, sem):
        c = lax.axis_index("c")
        s = lax.axis_index("s")
        wid = s * nc + c

        def _zb(i, carry):
            zbuf[pl.ds(i * _LANES, _LANES)] = jnp.zeros((_LANES,), jnp.float32)
            return carry
        lax.fori_loop(0, sl // _LANES, _zb, 0)
        off = s * sl
        pltpu.sync_copy(zbuf, acc_e.at[pl.ds(off, sl)])
        pltpu.sync_copy(zbuf, acc_x.at[pl.ds(off, sl)])
        pltpu.sync_copy(zbuf, acc_y.at[pl.ds(off, sl)])
        pltpu.sync_copy(zbuf, acc_z.at[pl.ds(off, sl)])
        plsc.subcore_barrier()

        def _chunk(ci, carry):
            base = wid * epw + ci * _CH
            reads = [
                pltpu.async_copy(row_hbm.at[pl.ds(base, _CH)], row_v, sem),
                pltpu.async_copy(col_hbm.at[pl.ds(base, _CH)], col_v, sem),
                pltpu.async_copy(row_hbm.at[pl.ds(base, _CH)],
                                 idx2_v.at[pl.ds(0, _CH)], sem),
                pltpu.async_copy(col_hbm.at[pl.ds(base, _CH)],
                                 idx2_v.at[pl.ds(_CH, _CH)], sem),
                pltpu.async_copy(xs_hbm.at[pl.ds(base, _CH)], xs_v, sem),
                pltpu.async_copy(ys_hbm.at[pl.ds(base, _CH)], ys_v, sem),
                pltpu.async_copy(zs_hbm.at[pl.ds(base, _CH)], zs_v, sem),
            ]
            for h in reads:
                h.wait()
            gathers = [
                pltpu.async_copy(q_hbm.at[row_v], qr_v, sem),
                pltpu.async_copy(q_hbm.at[col_v], qc_v, sem),
            ]
            for h in gathers:
                h.wait()

            def _grp(g, carry2):
                o = g * _LANES
                dx = xs_v[pl.ds(o, _LANES)]
                dy = ys_v[pl.ds(o, _LANES)]
                dz = zs_v[pl.ds(o, _LANES)]
                r2 = dx * dx + dy * dy + dz * dz
                rinv = _rsqrt16(r2)
                r = r2 * rinv
                damp = jnp.exp(jnp.minimum(
                    r * jnp.float32(_DSLOPE) - jnp.float32(_BETA),
                    jnp.float32(0.0)))
                qq = qr_v[pl.ds(o, _LANES)] * qc_v[pl.ds(o, _LANES)]
                e = jnp.float32(_CE) * qq * damp * rinv
                fs = (e + e) * (rinv * rinv)
                fx = dx * fs
                fy = dy * fs
                fz = dz * fs
                pe_v[pl.ds(o, _LANES)] = e
                pfx_v[pl.ds(o, _LANES)] = fx
                pfy_v[pl.ds(o, _LANES)] = fy
                pfz_v[pl.ds(o, _LANES)] = fz
                pfx_v[pl.ds(_CH + o, _LANES)] = -fx
                pfy_v[pl.ds(_CH + o, _LANES)] = -fy
                pfz_v[pl.ds(_CH + o, _LANES)] = -fz
                return carry2
            lax.fori_loop(0, _CH // _LANES, _grp, 0)

            scatters = [
                pltpu.async_copy(pe_v, acc_e.at[row_v], sem, add=True),
                pltpu.async_copy(pfx_v, acc_x.at[idx2_v], sem, add=True),
                pltpu.async_copy(pfy_v, acc_y.at[idx2_v], sem, add=True),
                pltpu.async_copy(pfz_v, acc_z.at[idx2_v], sem, add=True),
            ]
            for h in scatters:
                h.wait()
            return carry
        lax.fori_loop(0, nchunks, _chunk, 0)

        plsc.subcore_barrier()
        obase = c * (4 * _NP) + off
        for ch, acc in enumerate((acc_e, acc_x, acc_y, acc_z)):
            pltpu.sync_copy(acc.at[pl.ds(off, sl)], zbuf)
            pltpu.sync_copy(zbuf, out_hbm.at[pl.ds(obase + ch * _NP, sl)])

    return sc_kernel, nc


def _tc_finish(partials8, batch3d, nc):
    nblk = _NP // 128

    def body(p_ref, b_ref, e_ref, f_ref):
        i = pl.program_id(0)
        p = p_ref[...]
        f = p[1:4, :]
        e_node = p[0:1, :]
        for cc in range(1, nc):
            f = f + p[4 * cc + 1:4 * cc + 4, :]
            e_node = e_node + p[4 * cc:4 * cc + 1, :]
        f_ref[...] = f
        b = b_ref[0, 0, :].reshape(128, 1)
        onehot = (b == lax.broadcasted_iota(jnp.int32, (128, 128), 1)
                  ).astype(jnp.float32)
        contrib = jnp.dot(e_node, onehot, preferred_element_type=jnp.float32)

        @pl.when(i == 0)
        def _():
            e_ref[...] = jnp.zeros_like(e_ref)
        e_ref[...] += contrib

    return pl.pallas_call(
        body,
        grid=(nblk,),
        in_specs=[
            pl.BlockSpec((4 * nc, 128), lambda i: (0, i)),
            pl.BlockSpec((1, 1, 128), lambda i: (i, 0, 0)),
        ],
        out_specs=[
            pl.BlockSpec((1, 128), lambda i: (0, 0)),
            pl.BlockSpec((3, 128), lambda i: (0, i)),
        ],
        out_shape=[
            jax.ShapeDtypeStruct((1, _N_GRAPHS), jnp.float32),
            jax.ShapeDtypeStruct((3, _NP), jnp.float32),
        ],
    )(partials8, batch3d)


@jax.jit
def kernel(row, col, dij, pred_charge, batch):
    sc_kernel, nc = _make_sc_kernel()
    dij_t = dij.T
    partials = sc_kernel(dij_t[0], dij_t[1], dij_t[2], row.astype(jnp.int32),
                         col.astype(jnp.int32), pred_charge)
    p8 = partials.reshape(4 * nc, _NP)
    batch_p = jnp.concatenate(
        [batch.astype(jnp.int32),
         jnp.full((_NP - _N_NODES,), _N_GRAPHS - 1, jnp.int32)]
    ).reshape(_NP // 128, 1, 128)
    energy2d, force_p = _tc_finish(p8, batch_p, nc)
    return energy2d.reshape(_N_GRAPHS), force_p[:, :_N_NODES].T

# --- scband reference (transcript-rebuilt; emitter-appended) ---
"""Pipeline reference for scband-qeq-module-34291018891318 (READ-ONLY COPY).

The authoritative reference and input builder live on the scoring server;
editing this copy changes nothing except your own understanding.
"""

import jax, jax.numpy as jnp
import numpy as np

ANGSTROM_TO_METER = 1e-10
COULOMB_CONSTANT = 8987551792.3
ELECTRON_CHARGE = 1.602176634e-19
EV_TO_JOULE = 1.602176634e-19
COUL_DAMPING_BETA = 18.7
COUL_DAMPING_R0 = 2.2 * ANGSTROM_TO_METER
N_NODES = 100000
N_EDGES = 6400000
N_GRAPHS = 128


def setup_inputs(seed: int = 0) -> dict:
    key = jax.random.key(seed)
    k1, k2, k3, k4, k5 = jax.random.split(key, 5)
    row = jax.random.randint(k1, (N_EDGES,), 0, N_NODES)
    col = jax.random.randint(k2, (N_EDGES,), 0, N_NODES)
    dij = jax.random.normal(k3, (N_EDGES, 3), dtype=jnp.float32)
    pred_charge = jax.random.normal(k4, (N_NODES,), dtype=jnp.float32)
    batch = jnp.sort(jax.random.randint(k5, (N_NODES,), 0, N_GRAPHS))
    return {"row": row, "col": col, "dij": dij, "pred_charge": pred_charge, "batch": batch}


def reference(row, col, dij, pred_charge, batch):
    # QEqModule.get_coulomb_energy with g_ewald=None (damped real-space Coulomb)
    dij_meter = dij * ANGSTROM_TO_METER
    rij = jnp.sqrt(jnp.sum(jnp.square(dij_meter), axis=-1))
    pred_charge_coulomb = pred_charge * ELECTRON_CHARGE
    prefactor_coul = COULOMB_CONSTANT * pred_charge_coulomb[row] * pred_charge_coulomb[col] / rij
    damp_factor = jnp.where(
        rij < COUL_DAMPING_R0,
        jnp.exp(-COUL_DAMPING_BETA * (COUL_DAMPING_R0 - rij) / COUL_DAMPING_R0),
        jnp.ones_like(rij),
    )
    ecoul = 0.5 * prefactor_coul * damp_factor
    fcoul = prefactor_coul * damp_factor / rij
    coul_fij = dij_meter * (fcoul / rij)[:, None]
    coul_fij_ev_angstrom = coul_fij * ANGSTROM_TO_METER / EV_TO_JOULE
    ecoul_ev = ecoul / EV_TO_JOULE
    per_atom_energy = jax.ops.segment_sum(ecoul_ev, row, num_segments=N_NODES)
    coul_energy = jax.ops.segment_sum(per_atom_energy, batch, num_segments=N_GRAPHS)
    force_row = jax.ops.segment_sum(coul_fij_ev_angstrom, row, num_segments=N_NODES)
    force_col = jax.ops.segment_sum(coul_fij_ev_angstrom, col, num_segments=N_NODES)
    coul_force = force_row - force_col
    return coul_energy, coul_force

if __name__ == "__main__":
    import jax
    _d = setup_inputs()
    print(jax.jit(kernel)(*tuple(_d.values())))

</pallas_src>

<mosaic_0001>
#map = affine_map<(d0, d1) -> (0)>
module attributes {stable_mosaic.version = 14 : i64} {
  func.func @sc_kernel(%arg0: i32, %arg1: i32, %arg2: memref<6400000xf32, #tpu.memory_space<hbm>>, %arg3: memref<6400000xf32, #tpu.memory_space<hbm>>, %arg4: memref<6400000xf32, #tpu.memory_space<hbm>>, %arg5: memref<6400000xi32, #tpu.memory_space<hbm>>, %arg6: memref<6400000xi32, #tpu.memory_space<hbm>>, %arg7: memref<100000xf32, #tpu.memory_space<hbm>>, %arg8: memref<800768xf32, #tpu.memory_space<hbm>>, %arg9: memref<4000xi32, #tpu.memory_space<vmem>>, %arg10: memref<4000xi32, #tpu.memory_space<vmem>>, %arg11: memref<8000xi32, #tpu.memory_space<vmem>>, %arg12: memref<4000xf32, #tpu.memory_space<vmem>>, %arg13: memref<4000xf32, #tpu.memory_space<vmem>>, %arg14: memref<4000xf32, #tpu.memory_space<vmem>>, %arg15: memref<4000xf32, #tpu.memory_space<vmem>>, %arg16: memref<4000xf32, #tpu.memory_space<vmem>>, %arg17: memref<4000xf32, #tpu.memory_space<vmem>>, %arg18: memref<8000xf32, #tpu.memory_space<vmem>>, %arg19: memref<8000xf32, #tpu.memory_space<vmem>>, %arg20: memref<8000xf32, #tpu.memory_space<vmem>>, %arg21: memref<6256xf32, #tpu.memory_space<vmem>>, %arg22: memref<100096xf32, #tpu.memory_space<vmem_shared>>, %arg23: memref<100096xf32, #tpu.memory_space<vmem_shared>>, %arg24: memref<100096xf32, #tpu.memory_space<vmem_shared>>, %arg25: memref<100096xf32, #tpu.memory_space<vmem_shared>>, %arg26: memref<!tpu.dma_semaphore, #tpu.memory_space<semaphore_mem>>) attributes {dimension_semantics = [#tpu.dimension_semantics<core_parallel>, #tpu.dimension_semantics<subcore_parallel>], iteration_bounds = array<i64: 2, 16>, scalar_prefetch = 0 : i64, scratch_operands = 18 : i64, tpu.core_type = #tpu.core_type<sc_vector_subcore>, window_params = [{transform_indices = #map}, {transform_indices = #map}, {transform_indices = #map}, {transform_indices = #map}, {transform_indices = #map}, {transform_indices = #map}, {transform_indices = #map}]} {
    %mul3A = arith.constant 2 : i32
    %mul3A_0 = arith.muli %arg1, %mul3A : i32
    %add3A = arith.addi %mul3A_0, %arg0 : i32
    %scan3A = arith.constant 0 : i32
    %scan3A_1 = arith.constant 0 : i32
    %scan3A_2 = arith.constant 391 : i32
    %scan3A_3 = arith.addi %scan3A_1, %scan3A_2 : i32
    %scan3A_4 = arith.constant 1 : i32
    scf.for %scan3A_26 = %scan3A_1 to %scan3A_3 step %scan3A_4  : i32 {
      %broadcast_in_dim3A = arith.constant 0.000000e+00 : f32
      %broadcast_in_dim3A_27 = vector.broadcast %broadcast_in_dim3A : f32 to vector<16xf32>
      %mul3A_28 = arith.constant 16 : i32
      %mul3A_29 = arith.muli %scan3A_26, %mul3A_28 : i32
      %swap3A = arith.index_cast %mul3A_29 : i32 to index
      %swap3A_30 = tpu.vector_load %arg21[%swap3A] {strides = array<i32>} : memref<6256xf32, #tpu.memory_space<vmem>>, vector<16xf32>,
      %swap3A_31 = vector.shape_cast %swap3A_30 : vector<16xf32> to vector<16xf32>
      %swap3A_32 = vector.shape_cast %broadcast_in_dim3A_27 : vector<16xf32> to vector<16xf32>
      tpu.vector_store %arg21[%swap3A], %swap3A_32 {strides = array<i32>} : memref<6256xf32, #tpu.memory_space<vmem>>, vector<16xf32>,
    }
    %scan3A_5 = arith.constant 391 : i32
    %mul3A_6 = arith.constant 6256 : i32
    %mul3A_7 = arith.muli %arg1, %mul3A_6 : i32
    "tpu.region"() ({
      %run_scoped3A = tpu.sem_alloc : memref<!tpu.dma_semaphore, #tpu.memory_space<semaphore_mem>>
      %dma_start3A = tpu.memref_slice %arg22[%mul3A_7] : memref<100096xf32, #tpu.memory_space<vmem_shared>> -> memref<6256xf32, #tpu.memory_space<vmem_shared>>
      %dma_start3A_26 = tpu.memref_slice %arg22[%mul3A_7] : memref<100096xf32, #tpu.memory_space<vmem_shared>> -> memref<6256xf32, #tpu.memory_space<vmem_shared>>
      tpu.enqueue_dma source(%arg21 : memref<6256xf32, #tpu.memory_space<vmem>>) target(%dma_start3A_26 : memref<6256xf32, #tpu.memory_space<vmem_shared>>) target_semaphore(%run_scoped3A : memref<!tpu.dma_semaphore, #tpu.memory_space<semaphore_mem>>)
      %dma_wait3A = tpu.memref_slice %arg22[%mul3A_7] : memref<100096xf32, #tpu.memory_space<vmem_shared>> -> memref<6256xf32, #tpu.memory_space<vmem_shared>>
      %dma_wait3A_27 = tpu.memref_slice %arg22[%mul3A_7] : memref<100096xf32, #tpu.memory_space<vmem_shared>> -> memref<6256xf32, #tpu.memory_space<vmem_shared>>
      tpu.wait_dma2 semaphore(%run_scoped3A : memref<!tpu.dma_semaphore, #tpu.memory_space<semaphore_mem>>) src(%arg21 : memref<6256xf32, #tpu.memory_space<vmem>>) dst(%dma_wait3A_27 : memref<6256xf32, #tpu.memory_space<vmem_shared>>)
      tpu.yield
    }) : () -> ()
    "tpu.region"() ({
      %run_scoped3A = tpu.sem_alloc : memref<!tpu.dma_semaphore, #tpu.memory_space<semaphore_mem>>
      %dma_start3A = tpu.memref_slice %arg23[%mul3A_7] : memref<100096xf32, #tpu.memory_space<vmem_shared>> -> memref<6256xf32, #tpu.memory_space<vmem_shared>>
      %dma_start3A_26 = tpu.memref_slice %arg23[%mul3A_7] : memref<100096xf32, #tpu.memory_space<vmem_shared>> -> memref<6256xf32, #tpu.memory_space<vmem_shared>>
      tpu.enqueue_dma source(%arg21 : memref<6256xf32, #tpu.memory_space<vmem>>) target(%dma_start3A_26 : memref<6256xf32, #tpu.memory_space<vmem_shared>>) target_semaphore(%run_scoped3A : memref<!tpu.dma_semaphore, #tpu.memory_space<semaphore_mem>>)
      %dma_wait3A = tpu.memref_slice %arg23[%mul3A_7] : memref<100096xf32, #tpu.memory_space<vmem_shared>> -> memref<6256xf32, #tpu.memory_space<vmem_shared>>
      %dma_wait3A_27 = tpu.memref_slice %arg23[%mul3A_7] : memref<100096xf32, #tpu.memory_space<vmem_shared>> -> memref<6256xf32, #tpu.memory_space<vmem_shared>>
      tpu.wait_dma2 semaphore(%run_scoped3A : memref<!tpu.dma_semaphore, #tpu.memory_space<semaphore_mem>>) src(%arg21 : memref<6256xf32, #tpu.memory_space<vmem>>) dst(%dma_wait3A_27 : memref<6256xf32, #tpu.memory_space<vmem_shared>>)
      tpu.yield
    }) : () -> ()
    "tpu.region"() ({
      %run_scoped3A = tpu.sem_alloc : memref<!tpu.dma_semaphore, #tpu.memory_space<semaphore_mem>>
      %dma_start3A = tpu.memref_slice %arg24[%mul3A_7] : memref<100096xf32, #tpu.memory_space<vmem_shared>> -> memref<6256xf32, #tpu.memory_space<vmem_shared>>
      %dma_start3A_26 = tpu.memref_slice %arg24[%mul3A_7] : memref<100096xf32, #tpu.memory_space<vmem_shared>> -> memref<6256xf32, #tpu.memory_space<vmem_shared>>
      tpu.enqueue_dma source(%arg21 : memref<6256xf32, #tpu.memory_space<vmem>>) target(%dma_start3A_26 : memref<6256xf32, #tpu.memory_space<vmem_shared>>) target_semaphore(%run_scoped3A : memref<!tpu.dma_semaphore, #tpu.memory_space<semaphore_mem>>)
      %dma_wait3A = tpu.memref_slice %arg24[%mul3A_7] : memref<100096xf32, #tpu.memory_space<vmem_shared>> -> memref<6256xf32, #tpu.memory_space<vmem_shared>>
      %dma_wait3A_27 = tpu.memref_slice %arg24[%mul3A_7] : memref<100096xf32, #tpu.memory_space<vmem_shared>> -> memref<6256xf32, #tpu.memory_space<vmem_shared>>
      tpu.wait_dma2 semaphore(%run_scoped3A : memref<!tpu.dma_semaphore, #tpu.memory_space<semaphore_mem>>) src(%arg21 : memref<6256xf32, #tpu.memory_space<vmem>>) dst(%dma_wait3A_27 : memref<6256xf32, #tpu.memory_space<vmem_shared>>)
      tpu.yield
    }) : () -> ()
    "tpu.region"() ({
      %run_scoped3A = tpu.sem_alloc : memref<!tpu.dma_semaphore, #tpu.memory_space<semaphore_mem>>
      %dma_start3A = tpu.memref_slice %arg25[%mul3A_7] : memref<100096xf32, #tpu.memory_space<vmem_shared>> -> memref<6256xf32, #tpu.memory_space<vmem_shared>>
      %dma_start3A_26 = tpu.memref_slice %arg25[%mul3A_7] : memref<100096xf32, #tpu.memory_space<vmem_shared>> -> memref<6256xf32, #tpu.memory_space<vmem_shared>>
      tpu.enqueue_dma source(%arg21 : memref<6256xf32, #tpu.memory_space<vmem>>) target(%dma_start3A_26 : memref<6256xf32, #tpu.memory_space<vmem_shared>>) target_semaphore(%run_scoped3A : memref<!tpu.dma_semaphore, #tpu.memory_space<semaphore_mem>>)
      %dma_wait3A = tpu.memref_slice %arg25[%mul3A_7] : memref<100096xf32, #tpu.memory_space<vmem_shared>> -> memref<6256xf32, #tpu.memory_space<vmem_shared>>
      %dma_wait3A_27 = tpu.memref_slice %arg25[%mul3A_7] : memref<100096xf32, #tpu.memory_space<vmem_shared>> -> memref<6256xf32, #tpu.memory_space<vmem_shared>>
      tpu.wait_dma2 semaphore(%run_scoped3A : memref<!tpu.dma_semaphore, #tpu.memory_space<semaphore_mem>>) src(%arg21 : memref<6256xf32, #tpu.memory_space<vmem>>) dst(%dma_wait3A_27 : memref<6256xf32, #tpu.memory_space<vmem_shared>>)
      tpu.yield
    }) : () -> ()
    %barrier3A = arith.constant 0 : index
    tpu.barrier barrier_id(%barrier3A)
    %scan3A_8 = arith.constant 0 : i32
    %scan3A_9 = arith.constant 0 : i32
    %scan3A_10 = arith.constant 50 : i32
    %scan3A_11 = arith.addi %scan3A_9, %scan3A_10 : i32
    %scan3A_12 = arith.constant 1 : i32
    scf.for %scan3A_26 = %scan3A_9 to %scan3A_11 step %scan3A_12  : i32 {
      %mul3A_27 = arith.constant 200000 : i32
      %mul3A_28 = arith.muli %add3A, %mul3A_27 : i32
      %mul3A_29 = arith.constant 4000 : i32
      %mul3A_30 = arith.muli %scan3A_26, %mul3A_29 : i32
      %add3A_31 = arith.addi %mul3A_28, %mul3A_30 : i32
      %dma_start3A = tpu.memref_slice %arg5[%add3A_31] : memref<6400000xi32, #tpu.memory_space<hbm>> -> memref<4000xi32, #tpu.memory_space<hbm>>
      %dma_start3A_32 = tpu.memref_slice %arg5[%add3A_31] : memref<6400000xi32, #tpu.memory_space<hbm>> -> memref<4000xi32, #tpu.memory_space<hbm>>
      tpu.enqueue_dma source(%dma_start3A_32 : memref<4000xi32, #tpu.memory_space<hbm>>) target(%arg9 : memref<4000xi32, #tpu.memory_space<vmem>>) target_semaphore(%arg26 : memref<!tpu.dma_semaphore, #tpu.memory_space<semaphore_mem>>)
      %dma_start3A_33 = tpu.memref_slice %arg6[%add3A_31] : memref<6400000xi32, #tpu.memory_space<hbm>> -> memref<4000xi32, #tpu.memory_space<hbm>>
      %dma_start3A_34 = tpu.memref_slice %arg6[%add3A_31] : memref<6400000xi32, #tpu.memory_space<hbm>> -> memref<4000xi32, #tpu.memory_space<hbm>>
      tpu.enqueue_dma source(%dma_start3A_34 : memref<4000xi32, #tpu.memory_space<hbm>>) target(%arg10 : memref<4000xi32, #tpu.memory_space<vmem>>) target_semaphore(%arg26 : memref<!tpu.dma_semaphore, #tpu.memory_space<semaphore_mem>>)
      %dma_start3A_35 = arith.constant 0 : i32
      %dma_start3A_36 = tpu.memref_slice %arg11[%dma_start3A_35] : memref<8000xi32, #tpu.memory_space<vmem>> -> memref<4000xi32, #tpu.memory_space<vmem>>
      %dma_start3A_37 = tpu.memref_slice %arg5[%add3A_31] : memref<6400000xi32, #tpu.memory_space<hbm>> -> memref<4000xi32, #tpu.memory_space<hbm>>
      %dma_start3A_38 = arith.constant 0 : i32
      %dma_start3A_39 = tpu.memref_slice %arg11[%dma_start3A_38] : memref<8000xi32, #tpu.memory_space<vmem>> -> memref<4000xi32, #tpu.memory_space<vmem>>
      %dma_start3A_40 = tpu.memref_slice %arg5[%add3A_31] : memref<6400000xi32, #tpu.memory_space<hbm>> -> memref<4000xi32, #tpu.memory_space<hbm>>
      tpu.enqueue_dma source(%dma_start3A_40 : memref<4000xi32, #tpu.memory_space<hbm>>) target(%dma_start3A_39 : memref<4000xi32, #tpu.memory_space<vmem>>) target_semaphore(%arg26 : memref<!tpu.dma_semaphore, #tpu.memory_space<semaphore_mem>>)
      %dma_start3A_41 = arith.constant 4000 : i32
      %dma_start3A_42 = tpu.memref_slice %arg11[%dma_start3A_41] : memref<8000xi32, #tpu.memory_space<vmem>> -> memref<4000xi32, #tpu.memory_space<vmem>>
      %dma_start3A_43 = tpu.memref_slice %arg6[%add3A_31] : memref<6400000xi32, #tpu.memory_space<hbm>> -> memref<4000xi32, #tpu.memory_space<hbm>>
      %dma_start3A_44 = arith.constant 4000 : i32
      %dma_start3A_45 = tpu.memref_slice %arg11[%dma_start3A_44] : memref<8000xi32, #tpu.memory_space<vmem>> -> memref<4000xi32, #tpu.memory_space<vmem>>
      %dma_start3A_46 = tpu.memref_slice %arg6[%add3A_31] : memref<6400000xi32, #tpu.memory_space<hbm>> -> memref<4000xi32, #tpu.memory_space<hbm>>
      tpu.enqueue_dma source(%dma_start3A_46 : memref<4000xi32, #tpu.memory_space<hbm>>) target(%dma_start3A_45 : memref<4000xi32, #tpu.memory_space<vmem>>) target_semaphore(%arg26 : memref<!tpu.dma_semaphore, #tpu.memory_space<semaphore_mem>>)
      %dma_start3A_47 = tpu.memref_slice %arg2[%add3A_31] : memref<6400000xf32, #tpu.memory_space<hbm>> -> memref<4000xf32, #tpu.memory_space<hbm>>
      %dma_start3A_48 = tpu.memref_slice %arg2[%add3A_31] : memref<6400000xf32, #tpu.memory_space<hbm>> -> memref<4000xf32, #tpu.memory_space<hbm>>
      tpu.enqueue_dma source(%dma_start3A_48 : memref<4000xf32, #tpu.memory_space<hbm>>) target(%arg12 : memref<4000xf32, #tpu.memory_space<vmem>>) target_semaphore(%arg26 : memref<!tpu.dma_semaphore, #tpu.memory_space<semaphore_mem>>)
      %dma_start3A_49 = tpu.memref_slice %arg3[%add3A_31] : memref<6400000xf32, #tpu.memory_space<hbm>> -> memref<4000xf32, #tpu.memory_space<hbm>>
      %dma_start3A_50 = tpu.memref_slice %arg3[%add3A_31] : memref<6400000xf32, #tpu.memory_space<hbm>> -> memref<4000xf32, #tpu.memory_space<hbm>>
      tpu.enqueue_dma source(%dma_start3A_50 : memref<4000xf32, #tpu.memory_space<hbm>>) target(%arg13 : memref<4000xf32, #tpu.memory_space<vmem>>) target_semaphore(%arg26 : memref<!tpu.dma_semaphore, #tpu.memory_space<semaphore_mem>>)
      %dma_start3A_51 = tpu.memref_slice %arg4[%add3A_31] : memref<6400000xf32, #tpu.memory_space<hbm>> -> memref<4000xf32, #tpu.memory_space<hbm>>
      %dma_start3A_52 = tpu.memref_slice %arg4[%add3A_31] : memref<6400000xf32, #tpu.memory_space<hbm>> -> memref<4000xf32, #tpu.memory_space<hbm>>
      tpu.enqueue_dma source(%dma_start3A_52 : memref<4000xf32, #tpu.memory_space<hbm>>) target(%arg14 : memref<4000xf32, #tpu.memory_space<vmem>>) target_semaphore(%arg26 : memref<!tpu.dma_semaphore, #tpu.memory_space<semaphore_mem>>)
      %dma_wait3A = tpu.memref_slice %arg5[%add3A_31] : memref<6400000xi32, #tpu.memory_space<hbm>> -> memref<4000xi32, #tpu.memory_space<hbm>>
      %dma_wait3A_53 = tpu.memref_slice %arg5[%add3A_31] : memref<6400000xi32, #tpu.memory_space<hbm>> -> memref<4000xi32, #tpu.memory_space<hbm>>
      tpu.wait_dma2 semaphore(%arg26 : memref<!tpu.dma_semaphore, #tpu.memory_space<semaphore_mem>>) src(%dma_wait3A_53 : memref<4000xi32, #tpu.memory_space<hbm>>) dst(%arg9 : memref<4000xi32, #tpu.memory_space<vmem>>)
      %dma_wait3A_54 = tpu.memref_slice %arg6[%add3A_31] : memref<6400000xi32, #tpu.memory_space<hbm>> -> memref<4000xi32, #tpu.memory_space<hbm>>
      %dma_wait3A_55 = tpu.memref_slice %arg6[%add3A_31] : memref<6400000xi32, #tpu.memory_space<hbm>> -> memref<4000xi32, #tpu.memory_space<hbm>>
      tpu.wait_dma2 semaphore(%arg26 : memref<!tpu.dma_semaphore, #tpu.memory_space<semaphore_mem>>) src(%dma_wait3A_55 : memref<4000xi32, #tpu.memory_space<hbm>>) dst(%arg10 : memref<4000xi32, #tpu.memory_space<vmem>>)
      %dma_wait3A_56 = arith.constant 0 : i32
      %dma_wait3A_57 = tpu.memref_slice %arg11[%dma_wait3A_56] : memref<8000xi32, #tpu.memory_space<vmem>> -> memref<4000xi32, #tpu.memory_space<vmem>>
      %dma_wait3A_58 = tpu.memref_slice %arg5[%add3A_31] : memref<6400000xi32, #tpu.memory_space<hbm>> -> memref<4000xi32, #tpu.memory_space<hbm>>
      %dma_wait3A_59 = arith.constant 0 : i32
      %dma_wait3A_60 = tpu.memref_slice %arg11[%dma_wait3A_59] : memref<8000xi32, #tpu.memory_space<vmem>> -> memref<4000xi32, #tpu.memory_space<vmem>>
      %dma_wait3A_61 = tpu.memref_slice %arg5[%add3A_31] : memref<6400000xi32, #tpu.memory_space<hbm>> -> memref<4000xi32, #tpu.memory_space<hbm>>
      tpu.wait_dma2 semaphore(%arg26 : memref<!tpu.dma_semaphore, #tpu.memory_space<semaphore_mem>>) src(%dma_wait3A_61 : memref<4000xi32, #tpu.memory_space<hbm>>) dst(%dma_wait3A_60 : memref<4000xi32, #tpu.memory_space<vmem>>)
      %dma_wait3A_62 = arith.constant 4000 : i32
      %dma_wait3A_63 = tpu.memref_slice %arg11[%dma_wait3A_62] : memref<8000xi32, #tpu.memory_space<vmem>> -> memref<4000xi32, #tpu.memory_space<vmem>>
      %dma_wait3A_64 = tpu.memref_slice %arg6[%add3A_31] : memref<6400000xi32, #tpu.memory_space<hbm>> -> memref<4000xi32, #tpu.memory_space<hbm>>
      %dma_wait3A_65 = arith.constant 4000 : i32
      %dma_wait3A_66 = tpu.memref_slice %arg11[%dma_wait3A_65] : memref<8000xi32, #tpu.memory_space<vmem>> -> memref<4000xi32, #tpu.memory_space<vmem>>
      %dma_wait3A_67 = tpu.memref_slice %arg6[%add3A_31] : memref<6400000xi32, #tpu.memory_space<hbm>> -> memref<4000xi32, #tpu.memory_space<hbm>>
      tpu.wait_dma2 semaphore(%arg26 : memref<!tpu.dma_semaphore, #tpu.memory_space<semaphore_mem>>) src(%dma_wait3A_67 : memref<4000xi32, #tpu.memory_space<hbm>>) dst(%dma_wait3A_66 : memref<4000xi32, #tpu.memory_space<vmem>>)
      %dma_wait3A_68 = tpu.memref_slice %arg2[%add3A_31] : memref<6400000xf32, #tpu.memory_space<hbm>> -> memref<4000xf32, #tpu.memory_space<hbm>>
      %dma_wait3A_69 = tpu.memref_slice %arg2[%add3A_31] : memref<6400000xf32, #tpu.memory_space<hbm>> -> memref<4000xf32, #tpu.memory_space<hbm>>
      tpu.wait_dma2 semaphore(%arg26 : memref<!tpu.dma_semaphore, #tpu.memory_space<semaphore_mem>>) src(%dma_wait3A_69 : memref<4000xf32, #tpu.memory_space<hbm>>) dst(%arg12 : memref<4000xf32, #tpu.memory_space<vmem>>)
      %dma_wait3A_70 = tpu.memref_slice %arg3[%add3A_31] : memref<6400000xf32, #tpu.memory_space<hbm>> -> memref<4000xf32, #tpu.memory_space<hbm>>
      %dma_wait3A_71 = tpu.memref_slice %arg3[%add3A_31] : memref<6400000xf32, #tpu.memory_space<hbm>> -> memref<4000xf32, #tpu.memory_space<hbm>>
      tpu.wait_dma2 semaphore(%arg26 : memref<!tpu.dma_semaphore, #tpu.memory_space<semaphore_mem>>) src(%dma_wait3A_71 : memref<4000xf32, #tpu.memory_space<hbm>>) dst(%arg13 : memref<4000xf32, #tpu.memory_space<vmem>>)
      %dma_wait3A_72 = tpu.memref_slice %arg4[%add3A_31] : memref<6400000xf32, #tpu.memory_space<hbm>> -> memref<4000xf32, #tpu.memory_space<hbm>>
      %dma_wait3A_73 = tpu.memref_slice %arg4[%add3A_31] : memref<6400000xf32, #tpu.memory_space<hbm>> -> memref<4000xf32, #tpu.memory_space<hbm>>
      tpu.wait_dma2 semaphore(%arg26 : memref<!tpu.dma_semaphore, #tpu.memory_space<semaphore_mem>>) src(%dma_wait3A_73 : memref<4000xf32, #tpu.memory_space<hbm>>) dst(%arg14 : memref<4000xf32, #tpu.memory_space<vmem>>)
      %dma_start3A_74 = arith.constant 0 : i32
      %dma_start3A_75 = tpu.memref_slice %arg7[%dma_start3A_74] : memref<100000xf32, #tpu.memory_space<hbm>> -> memref<100000xf32, #tpu.memory_space<hbm>>
      tpu.enqueue_indirect_dma source(%dma_start3A_75 : memref<100000xf32, #tpu.memory_space<hbm>>) target(%arg15 : memref<4000xf32, #tpu.memory_space<vmem>>) offsets(%arg9 : memref<4000xi32, #tpu.memory_space<vmem>>) semaphore(%arg26 : memref<!tpu.dma_semaphore, #tpu.memory_space<semaphore_mem>>)
      %dma_start3A_76 = arith.constant 0 : i32
      %dma_start3A_77 = tpu.memref_slice %arg7[%dma_start3A_76] : memref<100000xf32, #tpu.memory_space<hbm>> -> memref<100000xf32, #tpu.memory_space<hbm>>
      tpu.enqueue_indirect_dma source(%dma_start3A_77 : memref<100000xf32, #tpu.memory_space<hbm>>) target(%arg16 : memref<4000xf32, #tpu.memory_space<vmem>>) offsets(%arg10 : memref<4000xi32, #tpu.memory_space<vmem>>) semaphore(%arg26 : memref<!tpu.dma_semaphore, #tpu.memory_space<semaphore_mem>>)
      %dma_wait3A_78 = arith.constant 0 : i32
      %dma_wait3A_79 = tpu.memref_slice %arg7[%dma_wait3A_78] : memref<100000xf32, #tpu.memory_space<hbm>> -> memref<100000xf32, #tpu.memory_space<hbm>>
      tpu.wait_indirect_dma semaphore(%arg26 : memref<!tpu.dma_semaphore, #tpu.memory_space<semaphore_mem>>) src(%dma_wait3A_79 : memref<100000xf32, #tpu.memory_space<hbm>>) dst(%arg15 : memref<4000xf32, #tpu.memory_space<vmem>>)
      %dma_wait3A_80 = arith.constant 0 : i32
      %dma_wait3A_81 = tpu.memref_slice %arg7[%dma_wait3A_80] : memref<100000xf32, #tpu.memory_space<hbm>> -> memref<100000xf32, #tpu.memory_space<hbm>>
      tpu.wait_indirect_dma semaphore(%arg26 : memref<!tpu.dma_semaphore, #tpu.memory_space<semaphore_mem>>) src(%dma_wait3A_81 : memref<100000xf32, #tpu.memory_space<hbm>>) dst(%arg16 : memref<4000xf32, #tpu.memory_space<vmem>>)
      %scan3A_82 = arith.constant 0 : i32
      %scan3A_83 = arith.constant 0 : i32
      %scan3A_84 = arith.constant 250 : i32
      %scan3A_85 = arith.addi %scan3A_83, %scan3A_84 : i32
      %scan3A_86 = arith.constant 1 : i32
      scf.for %scan3A_104 = %scan3A_83 to %scan3A_85 step %scan3A_86  : i32 {
        %mul3A_105 = arith.constant 16 : i32
        %mul3A_106 = arith.muli %scan3A_104, %mul3A_105 : i32
        %get3A = arith.index_cast %mul3A_106 : i32 to index
        %get3A_107 = tpu.vector_load %arg12[%get3A] {strides = array<i32>} : memref<4000xf32, #tpu.memory_space<vmem>>, vector<16xf32>,
        %get3A_108 = vector.shape_cast %get3A_107 : vector<16xf32> to vector<16xf32>
        %get3A_109 = arith.index_cast %mul3A_106 : i32 to index
        %get3A_110 = tpu.vector_load %arg13[%get3A_109] {strides = array<i32>} : memref<4000xf32, #tpu.memory_space<vmem>>, vector<16xf32>,
        %get3A_111 = vector.shape_cast %get3A_110 : vector<16xf32> to vector<16xf32>
        %get3A_112 = arith.index_cast %mul3A_106 : i32 to index
        %get3A_113 = tpu.vector_load %arg14[%get3A_112] {strides = array<i32>} : memref<4000xf32, #tpu.memory_space<vmem>>, vector<16xf32>,
        %get3A_114 = vector.shape_cast %get3A_113 : vector<16xf32> to vector<16xf32>
        %mul3A_115 = arith.mulf %get3A_108, %get3A_108 : vector<16xf32>
        %mul3A_116 = arith.mulf %get3A_111, %get3A_111 : vector<16xf32>
        %add3A_117 = arith.addf %mul3A_115, %mul3A_116 : vector<16xf32>
        %mul3A_118 = arith.mulf %get3A_114, %get3A_114 : vector<16xf32>
        %add3A_119 = arith.addf %add3A_117, %mul3A_118 : vector<16xf32>
        %bitcast_convert_type3A = tpu.bitcast %add3A_119 : vector<16xf32> -> vector<16xi32>
        %shift_right_arithmetic3A = arith.constant 1 : i32
        %shift_right_arithmetic3A_120 = vector.broadcast %shift_right_arithmetic3A : i32 to vector<16xi32>
        %shift_right_arithmetic3A_121 = arith.shrsi %bitcast_convert_type3A, %shift_right_arithmetic3A_120 : vector<16xi32>
        %sub3A = arith.constant 1597463007 : i32
        %sub3A_122 = vector.broadcast %sub3A : i32 to vector<16xi32>
        %sub3A_123 = arith.subi %sub3A_122, %shift_right_arithmetic3A_121 : vector<16xi32>
        %bitcast_convert_type3A_124 = tpu.bitcast %sub3A_123 : vector<16xi32> -> vector<16xf32>
        %mul3A_125 = arith.constant 5.000000e-01 : f32
        %mul3A_126 = vector.broadcast %mul3A_125 : f32 to vector<16xf32>
        %mul3A_127 = arith.mulf %add3A_119, %mul3A_126 : vector<16xf32>
        %mul3A_128 = arith.mulf %mul3A_127, %bitcast_convert_type3A_124 : vector<16xf32>
        %mul3A_129 = arith.mulf %mul3A_128, %bitcast_convert_type3A_124 : vector<16xf32>
        %sub3A_130 = arith.constant 1.500000e+00 : f32
        %sub3A_131 = vector.broadcast %sub3A_130 : f32 to vector<16xf32>
        %sub3A_132 = arith.subf %sub3A_131, %mul3A_129 : vector<16xf32>
        %mul3A_133 = arith.mulf %bitcast_convert_type3A_124, %sub3A_132 : vector<16xf32>
        %mul3A_134 = arith.mulf %mul3A_127, %mul3A_133 : vector<16xf32>
        %mul3A_135 = arith.mulf %mul3A_134, %mul3A_133 : vector<16xf32>
        %sub3A_136 = arith.constant 1.500000e+00 : f32
        %sub3A_137 = vector.broadcast %sub3A_136 : f32 to vector<16xf32>
        %sub3A_138 = arith.subf %sub3A_137, %mul3A_135 : vector<16xf32>
        %mul3A_139 = arith.mulf %mul3A_133, %sub3A_138 : vector<16xf32>
        %mul3A_140 = arith.mulf %mul3A_127, %mul3A_139 : vector<16xf32>
        %mul3A_141 = arith.mulf %mul3A_140, %mul3A_139 : vector<16xf32>
        %sub3A_142 = arith.constant 1.500000e+00 : f32
        %sub3A_143 = vector.broadcast %sub3A_142 : f32 to vector<16xf32>
        %sub3A_144 = arith.subf %sub3A_143, %mul3A_141 : vector<16xf32>
        %mul3A_145 = arith.mulf %mul3A_139, %sub3A_144 : vector<16xf32>
        %mul3A_146 = arith.mulf %add3A_119, %mul3A_145 : vector<16xf32>
        %mul3A_147 = arith.constant 8.500000e+00 : f32
        %mul3A_148 = vector.broadcast %mul3A_147 : f32 to vector<16xf32>
        %mul3A_149 = arith.mulf %mul3A_146, %mul3A_148 : vector<16xf32>
        %sub3A_150 = arith.constant 1.870000e+01 : f32
        %sub3A_151 = vector.broadcast %sub3A_150 : f32 to vector<16xf32>
        %sub3A_152 = arith.subf %mul3A_149, %sub3A_151 : vector<16xf32>
        %min3A = arith.constant 0.000000e+00 : f32
        %min3A_153 = vector.broadcast %min3A : f32 to vector<16xf32>
        %min3A_154 = arith.minimumf %sub3A_152, %min3A_153 : vector<16xf32>
        %exp3A = math.exp %min3A_154 : vector<16xf32>
        %get3A_155 = arith.index_cast %mul3A_106 : i32 to index
        %get3A_156 = tpu.vector_load %arg15[%get3A_155] {strides = array<i32>} : memref<4000xf32, #tpu.memory_space<vmem>>, vector<16xf32>,
        %get3A_157 = vector.shape_cast %get3A_156 : vector<16xf32> to vector<16xf32>
        %get3A_158 = arith.index_cast %mul3A_106 : i32 to index
        %get3A_159 = tpu.vector_load %arg16[%get3A_158] {strides = array<i32>} : memref<4000xf32, #tpu.memory_space<vmem>>, vector<16xf32>,
        %get3A_160 = vector.shape_cast %get3A_159 : vector<16xf32> to vector<16xf32>
        %mul3A_161 = arith.mulf %get3A_157, %get3A_160 : vector<16xf32>
        %mul3A_162 = arith.constant 7.1998229 : f32
        %mul3A_163 = vector.broadcast %mul3A_162 : f32 to vector<16xf32>
        %mul3A_164 = arith.mulf %mul3A_163, %mul3A_161 : vector<16xf32>
        %mul3A_165 = arith.mulf %mul3A_164, %exp3A : vector<16xf32>
        %mul3A_166 = arith.mulf %mul3A_165, %mul3A_145 : vector<16xf32>
        %add3A_167 = arith.addf %mul3A_166, %mul3A_166 : vector<16xf32>
        %mul3A_168 = arith.mulf %mul3A_145, %mul3A_145 : vector<16xf32>
        %mul3A_169 = arith.mulf %add3A_167, %mul3A_168 : vector<16xf32>
        %mul3A_170 = arith.mulf %get3A_108, %mul3A_169 : vector<16xf32>
        %mul3A_171 = arith.mulf %get3A_111, %mul3A_169 : vector<16xf32>
        %mul3A_172 = arith.mulf %get3A_114, %mul3A_169 : vector<16xf32>
        %swap3A = arith.index_cast %mul3A_106 : i32 to index
        %swap3A_173 = tpu.vector_load %arg17[%swap3A] {strides = array<i32>} : memref<4000xf32, #tpu.memory_space<vmem>>, vector<16xf32>,
        %swap3A_174 = vector.shape_cast %swap3A_173 : vector<16xf32> to vector<16xf32>
        %swap3A_175 = vector.shape_cast %mul3A_166 : vector<16xf32> to vector<16xf32>
        tpu.vector_store %arg17[%swap3A], %swap3A_175 {strides = array<i32>} : memref<4000xf32, #tpu.memory_space<vmem>>, vector<16xf32>,
        %swap3A_176 = arith.index_cast %mul3A_106 : i32 to index
        %swap3A_177 = tpu.vector_load %arg18[%swap3A_176] {strides = array<i32>} : memref<8000xf32, #tpu.memory_space<vmem>>, vector<16xf32>,
        %swap3A_178 = vector.shape_cast %swap3A_177 : vector<16xf32> to vector<16xf32>
        %swap3A_179 = vector.shape_cast %mul3A_170 : vector<16xf32> to vector<16xf32>
        tpu.vector_store %arg18[%swap3A_176], %swap3A_179 {strides = array<i32>} : memref<8000xf32, #tpu.memory_space<vmem>>, vector<16xf32>,
        %swap3A_180 = arith.index_cast %mul3A_106 : i32 to index
        %swap3A_181 = tpu.vector_load %arg19[%swap3A_180] {strides = array<i32>} : memref<8000xf32, #tpu.memory_space<vmem>>, vector<16xf32>,
        %swap3A_182 = vector.shape_cast %swap3A_181 : vector<16xf32> to vector<16xf32>
        %swap3A_183 = vector.shape_cast %mul3A_171 : vector<16xf32> to vector<16xf32>
        tpu.vector_store %arg19[%swap3A_180], %swap3A_183 {strides = array<i32>} : memref<8000xf32, #tpu.memory_space<vmem>>, vector<16xf32>,
        %swap3A_184 = arith.index_cast %mul3A_106 : i32 to index
        %swap3A_185 = tpu.vector_load %arg20[%swap3A_184] {strides = array<i32>} : memref<8000xf32, #tpu.memory_space<vmem>>, vector<16xf32>,
        %swap3A_186 = vector.shape_cast %swap3A_185 : vector<16xf32> to vector<16xf32>
        %swap3A_187 = vector.shape_cast %mul3A_172 : vector<16xf32> to vector<16xf32>
        tpu.vector_store %arg20[%swap3A_184], %swap3A_187 {strides = array<i32>} : memref<8000xf32, #tpu.memory_space<vmem>>, vector<16xf32>,
        %neg3A = arith.constant 0.000000e+00 : f32
        %neg3A_188 = vector.broadcast %neg3A : f32 to vector<16xf32>
        %neg3A_189 = arith.subf %neg3A_188, %mul3A_170 : vector<16xf32>
        %add3A_190 = arith.constant 4000 : i32
        %add3A_191 = arith.addi %add3A_190, %mul3A_106 : i32
        %swap3A_192 = arith.index_cast %add3A_191 : i32 to index
        %swap3A_193 = tpu.vector_load %arg18[%swap3A_192] {strides = array<i32>} : memref<8000xf32, #tpu.memory_space<vmem>>, vector<16xf32>,
        %swap3A_194 = vector.shape_cast %swap3A_193 : vector<16xf32> to vector<16xf32>
        %swap3A_195 = vector.shape_cast %neg3A_189 : vector<16xf32> to vector<16xf32>
        tpu.vector_store %arg18[%swap3A_192], %swap3A_195 {strides = array<i32>} : memref<8000xf32, #tpu.memory_space<vmem>>, vector<16xf32>,
        %neg3A_196 = arith.constant 0.000000e+00 : f32
        %neg3A_197 = vector.broadcast %neg3A_196 : f32 to vector<16xf32>
        %neg3A_198 = arith.subf %neg3A_197, %mul3A_171 : vector<16xf32>
        %add3A_199 = arith.constant 4000 : i32
        %add3A_200 = arith.addi %add3A_199, %mul3A_106 : i32
        %swap3A_201 = arith.index_cast %add3A_200 : i32 to index
        %swap3A_202 = tpu.vector_load %arg19[%swap3A_201] {strides = array<i32>} : memref<8000xf32, #tpu.memory_space<vmem>>, vector<16xf32>,
        %swap3A_203 = vector.shape_cast %swap3A_202 : vector<16xf32> to vector<16xf32>
        %swap3A_204 = vector.shape_cast %neg3A_198 : vector<16xf32> to vector<16xf32>
        tpu.vector_store %arg19[%swap3A_201], %swap3A_204 {strides = array<i32>} : memref<8000xf32, #tpu.memory_space<vmem>>, vector<16xf32>,
        %neg3A_205 = arith.constant 0.000000e+00 : f32
        %neg3A_206 = vector.broadcast %neg3A_205 : f32 to vector<16xf32>
        %neg3A_207 = arith.subf %neg3A_206, %mul3A_172 : vector<16xf32>
        %add3A_208 = arith.constant 4000 : i32
        %add3A_209 = arith.addi %add3A_208, %mul3A_106 : i32
        %swap3A_210 = arith.index_cast %add3A_209 : i32 to index
        %swap3A_211 = tpu.vector_load %arg20[%swap3A_210] {strides = array<i32>} : memref<8000xf32, #tpu.memory_space<vmem>>, vector<16xf32>,
        %swap3A_212 = vector.shape_cast %swap3A_211 : vector<16xf32> to vector<16xf32>
        %swap3A_213 = vector.shape_cast %neg3A_207 : vector<16xf32> to vector<16xf32>
        tpu.vector_store %arg20[%swap3A_210], %swap3A_213 {strides = array<i32>} : memref<8000xf32, #tpu.memory_space<vmem>>, vector<16xf32>,
      }
      %scan3A_87 = arith.constant 250 : i32
      %dma_start3A_88 = arith.constant 0 : i32
      %dma_start3A_89 = tpu.memref_slice %arg22[%dma_start3A_88] : memref<100096xf32, #tpu.memory_space<vmem_shared>> -> memref<100096xf32, #tpu.memory_space<vmem_shared>>
      tpu.enqueue_indirect_dma source(%arg17 : memref<4000xf32, #tpu.memory_space<vmem>>) target(%dma_start3A_89 : memref<100096xf32, #tpu.memory_space<vmem_shared>>) offsets(%arg9 : memref<4000xi32, #tpu.memory_space<vmem>>) semaphore(%arg26 : memref<!tpu.dma_semaphore, #tpu.memory_space<semaphore_mem>>) {add = true}
      %dma_start3A_90 = arith.constant 0 : i32
      %dma_start3A_91 = tpu.memref_slice %arg23[%dma_start3A_90] : memref<100096xf32, #tpu.memory_space<vmem_shared>> -> memref<100096xf32, #tpu.memory_space<vmem_shared>>
      tpu.enqueue_indirect_dma source(%arg18 : memref<8000xf32, #tpu.memory_space<vmem>>) target(%dma_start3A_91 : memref<100096xf32, #tpu.memory_space<vmem_shared>>) offsets(%arg11 : memref<8000xi32, #tpu.memory_space<vmem>>) semaphore(%arg26 : memref<!tpu.dma_semaphore, #tpu.memory_space<semaphore_mem>>) {add = true}
      %dma_start3A_92 = arith.constant 0 : i32
      %dma_start3A_93 = tpu.memref_slice %arg24[%dma_start3A_92] : memref<100096xf32, #tpu.memory_space<vmem_shared>> -> memref<100096xf32, #tpu.memory_space<vmem_shared>>
      tpu.enqueue_indirect_dma source(%arg19 : memref<8000xf32, #tpu.memory_space<vmem>>) target(%dma_start3A_93 : memref<100096xf32, #tpu.memory_space<vmem_shared>>) offsets(%arg11 : memref<8000xi32, #tpu.memory_space<vmem>>) semaphore(%arg26 : memref<!tpu.dma_semaphore, #tpu.memory_space<semaphore_mem>>) {add = true}
      %dma_start3A_94 = arith.constant 0 : i32
      %dma_start3A_95 = tpu.memref_slice %arg25[%dma_start3A_94] : memref<100096xf32, #tpu.memory_space<vmem_shared>> -> memref<100096xf32, #tpu.memory_space<vmem_shared>>
      tpu.enqueue_indirect_dma source(%arg20 : memref<8000xf32, #tpu.memory_space<vmem>>) target(%dma_start3A_95 : memref<100096xf32, #tpu.memory_space<vmem_shared>>) offsets(%arg11 : memref<8000xi32, #tpu.memory_space<vmem>>) semaphore(%arg26 : memref<!tpu.dma_semaphore, #tpu.memory_space<semaphore_mem>>) {add = true}
      %dma_wait3A_96 = arith.constant 0 : i32
      %dma_wait3A_97 = tpu.memref_slice %arg22[%dma_wait3A_96] : memref<100096xf32, #tpu.memory_space<vmem_shared>> -> memref<100096xf32, #tpu.memory_space<vmem_shared>>
      tpu.wait_indirect_dma semaphore(%arg26 : memref<!tpu.dma_semaphore, #tpu.memory_space<semaphore_mem>>) src(%arg17 : memref<4000xf32, #tpu.memory_space<vmem>>) dst(%dma_wait3A_97 : memref<100096xf32, #tpu.memory_space<vmem_shared>>)
      %dma_wait3A_98 = arith.constant 0 : i32
      %dma_wait3A_99 = tpu.memref_slice %arg23[%dma_wait3A_98] : memref<100096xf32, #tpu.memory_space<vmem_shared>> -> memref<100096xf32, #tpu.memory_space<vmem_shared>>
      tpu.wait_indirect_dma semaphore(%arg26 : memref<!tpu.dma_semaphore, #tpu.memory_space<semaphore_mem>>) src(%arg18 : memref<8000xf32, #tpu.memory_space<vmem>>) dst(%dma_wait3A_99 : memref<100096xf32, #tpu.memory_space<vmem_shared>>)
      %dma_wait3A_100 = arith.constant 0 : i32
      %dma_wait3A_101 = tpu.memref_slice %arg24[%dma_wait3A_100] : memref<100096xf32, #tpu.memory_space<vmem_shared>> -> memref<100096xf32, #tpu.memory_space<vmem_shared>>
      tpu.wait_indirect_dma semaphore(%arg26 : memref<!tpu.dma_semaphore, #tpu.memory_space<semaphore_mem>>) src(%arg19 : memref<8000xf32, #tpu.memory_space<vmem>>) dst(%dma_wait3A_101 : memref<100096xf32, #tpu.memory_space<vmem_shared>>)
      %dma_wait3A_102 = arith.constant 0 : i32
      %dma_wait3A_103 = tpu.memref_slice %arg25[%dma_wait3A_102] : memref<100096xf32, #tpu.memory_space<vmem_shared>> -> memref<100096xf32, #tpu.memory_space<vmem_shared>>
      tpu.wait_indirect_dma semaphore(%arg26 : memref<!tpu.dma_semaphore, #tpu.memory_space<semaphore_mem>>) src(%arg20 : memref<8000xf32, #tpu.memory_space<vmem>>) dst(%dma_wait3A_103 : memref<100096xf32, #tpu.memory_space<vmem_shared>>)
    }
    %scan3A_13 = arith.constant 50 : i32
    %barrier3A_14 = arith.constant 0 : index
    tpu.barrier barrier_id(%barrier3A_14)
    %mul3A_15 = arith.constant 400384 : i32
    %mul3A_16 = arith.muli %arg0, %mul3A_15 : i32
    %add3A_17 = arith.addi %mul3A_16, %mul3A_7 : i32
    "tpu.region"() ({
      %run_scoped3A = tpu.sem_alloc : memref<!tpu.dma_semaphore, #tpu.memory_space<semaphore_mem>>
      %dma_start3A = tpu.memref_slice %arg22[%mul3A_7] : memref<100096xf32, #tpu.memory_space<vmem_shared>> -> memref<6256xf32, #tpu.memory_space<vmem_shared>>
      %dma_start3A_26 = tpu.memref_slice %arg22[%mul3A_7] : memref<100096xf32, #tpu.memory_space<vmem_shared>> -> memref<6256xf32, #tpu.memory_space<vmem_shared>>
      tpu.enqueue_dma source(%dma_start3A_26 : memref<6256xf32, #tpu.memory_space<vmem_shared>>) target(%arg21 : memref<6256xf32, #tpu.memory_space<vmem>>) target_semaphore(%run_scoped3A : memref<!tpu.dma_semaphore, #tpu.memory_space<semaphore_mem>>)
      %dma_wait3A = tpu.memref_slice %arg22[%mul3A_7] : memref<100096xf32, #tpu.memory_space<vmem_shared>> -> memref<6256xf32, #tpu.memory_space<vmem_shared>>
      %dma_wait3A_27 = tpu.memref_slice %arg22[%mul3A_7] : memref<100096xf32, #tpu.memory_space<vmem_shared>> -> memref<6256xf32, #tpu.memory_space<vmem_shared>>
      tpu.wait_dma2 semaphore(%run_scoped3A : memref<!tpu.dma_semaphore, #tpu.memory_space<semaphore_mem>>) src(%dma_wait3A_27 : memref<6256xf32, #tpu.memory_space<vmem_shared>>) dst(%arg21 : memref<6256xf32, #tpu.memory_space<vmem>>)
      tpu.yield
    }) : () -> ()
    %add3A_18 = arith.constant 0 : i32
    %add3A_19 = arith.addi %add3A_17, %add3A_18 : i32
    "tpu.region"() ({
      %run_scoped3A = tpu.sem_alloc : memref<!tpu.dma_semaphore, #tpu.memory_space<semaphore_mem>>
      %dma_start3A = tpu.memref_slice %arg8[%add3A_19] : memref<800768xf32, #tpu.memory_space<hbm>> -> memref<6256xf32, #tpu.memory_space<hbm>>
      %dma_start3A_26 = tpu.memref_slice %arg8[%add3A_19] : memref<800768xf32, #tpu.memory_space<hbm>> -> memref<6256xf32, #tpu.memory_space<hbm>>
      tpu.enqueue_dma source(%arg21 : memref<6256xf32, #tpu.memory_space<vmem>>) target(%dma_start3A_26 : memref<6256xf32, #tpu.memory_space<hbm>>) target_semaphore(%run_scoped3A : memref<!tpu.dma_semaphore, #tpu.memory_space<semaphore_mem>>)
      %dma_wait3A = tpu.memref_slice %arg8[%add3A_19] : memref<800768xf32, #tpu.memory_space<hbm>> -> memref<6256xf32, #tpu.memory_space<hbm>>
      %dma_wait3A_27 = tpu.memref_slice %arg8[%add3A_19] : memref<800768xf32, #tpu.memory_space<hbm>> -> memref<6256xf32, #tpu.memory_space<hbm>>
      tpu.wait_dma2 semaphore(%run_scoped3A : memref<!tpu.dma_semaphore, #tpu.memory_space<semaphore_mem>>) src(%arg21 : memref<6256xf32, #tpu.memory_space<vmem>>) dst(%dma_wait3A_27 : memref<6256xf32, #tpu.memory_space<hbm>>)
      tpu.yield
    }) : () -> ()
    "tpu.region"() ({
      %run_scoped3A = tpu.sem_alloc : memref<!tpu.dma_semaphore, #tpu.memory_space<semaphore_mem>>
      %dma_start3A = tpu.memref_slice %arg23[%mul3A_7] : memref<100096xf32, #tpu.memory_space<vmem_shared>> -> memref<6256xf32, #tpu.memory_space<vmem_shared>>
      %dma_start3A_26 = tpu.memref_slice %arg23[%mul3A_7] : memref<100096xf32, #tpu.memory_space<vmem_shared>> -> memref<6256xf32, #tpu.memory_space<vmem_shared>>
      tpu.enqueue_dma source(%dma_start3A_26 : memref<6256xf32, #tpu.memory_space<vmem_shared>>) target(%arg21 : memref<6256xf32, #tpu.memory_space<vmem>>) target_semaphore(%run_scoped3A : memref<!tpu.dma_semaphore, #tpu.memory_space<semaphore_mem>>)
      %dma_wait3A = tpu.memref_slice %arg23[%mul3A_7] : memref<100096xf32, #tpu.memory_space<vmem_shared>> -> memref<6256xf32, #tpu.memory_space<vmem_shared>>
      %dma_wait3A_27 = tpu.memref_slice %arg23[%mul3A_7] : memref<100096xf32, #tpu.memory_space<vmem_shared>> -> memref<6256xf32, #tpu.memory_space<vmem_shared>>
      tpu.wait_dma2 semaphore(%run_scoped3A : memref<!tpu.dma_semaphore, #tpu.memory_space<semaphore_mem>>) src(%dma_wait3A_27 : memref<6256xf32, #tpu.memory_space<vmem_shared>>) dst(%arg21 : memref<6256xf32, #tpu.memory_space<vmem>>)
      tpu.yield
    }) : () -> ()
    %add3A_20 = arith.constant 100096 : i32
    %add3A_21 = arith.addi %add3A_17, %add3A_20 : i32
    "tpu.region"() ({
      %run_scoped3A = tpu.sem_alloc : memref<!tpu.dma_semaphore, #tpu.memory_space<semaphore_mem>>
      %dma_start3A = tpu.memref_slice %arg8[%add3A_21] : memref<800768xf32, #tpu.memory_space<hbm>> -> memref<6256xf32, #tpu.memory_space<hbm>>
      %dma_start3A_26 = tpu.memref_slice %arg8[%add3A_21] : memref<800768xf32, #tpu.memory_space<hbm>> -> memref<6256xf32, #tpu.memory_space<hbm>>
      tpu.enqueue_dma source(%arg21 : memref<6256xf32, #tpu.memory_space<vmem>>) target(%dma_start3A_26 : memref<6256xf32, #tpu.memory_space<hbm>>) target_semaphore(%run_scoped3A : memref<!tpu.dma_semaphore, #tpu.memory_space<semaphore_mem>>)
      %dma_wait3A = tpu.memref_slice %arg8[%add3A_21] : memref<800768xf32, #tpu.memory_space<hbm>> -> memref<6256xf32, #tpu.memory_space<hbm>>
      %dma_wait3A_27 = tpu.memref_slice %arg8[%add3A_21] : memref<800768xf32, #tpu.memory_space<hbm>> -> memref<6256xf32, #tpu.memory_space<hbm>>
      tpu.wait_dma2 semaphore(%run_scoped3A : memref<!tpu.dma_semaphore, #tpu.memory_space<semaphore_mem>>) src(%arg21 : memref<6256xf32, #tpu.memory_space<vmem>>) dst(%dma_wait3A_27 : memref<6256xf32, #tpu.memory_space<hbm>>)
      tpu.yield
    }) : () -> ()
    "tpu.region"() ({
      %run_scoped3A = tpu.sem_alloc : memref<!tpu.dma_semaphore, #tpu.memory_space<semaphore_mem>>
      %dma_start3A = tpu.memref_slice %arg24[%mul3A_7] : memref<100096xf32, #tpu.memory_space<vmem_shared>> -> memref<6256xf32, #tpu.memory_space<vmem_shared>>
      %dma_start3A_26 = tpu.memref_slice %arg24[%mul3A_7] : memref<100096xf32, #tpu.memory_space<vmem_shared>> -> memref<6256xf32, #tpu.memory_space<vmem_shared>>
      tpu.enqueue_dma source(%dma_start3A_26 : memref<6256xf32, #tpu.memory_space<vmem_shared>>) target(%arg21 : memref<6256xf32, #tpu.memory_space<vmem>>) target_semaphore(%run_scoped3A : memref<!tpu.dma_semaphore, #tpu.memory_space<semaphore_mem>>)
      %dma_wait3A = tpu.memref_slice %arg24[%mul3A_7] : memref<100096xf32, #tpu.memory_space<vmem_shared>> -> memref<6256xf32, #tpu.memory_space<vmem_shared>>
      %dma_wait3A_27 = tpu.memref_slice %arg24[%mul3A_7] : memref<100096xf32, #tpu.memory_space<vmem_shared>> -> memref<6256xf32, #tpu.memory_space<vmem_shared>>
      tpu.wait_dma2 semaphore(%run_scoped3A : memref<!tpu.dma_semaphore, #tpu.memory_space<semaphore_mem>>) src(%dma_wait3A_27 : memref<6256xf32, #tpu.memory_space<vmem_shared>>) dst(%arg21 : memref<6256xf32, #tpu.memory_space<vmem>>)
      tpu.yield
    }) : () -> ()
    %add3A_22 = arith.constant 200192 : i32
    %add3A_23 = arith.addi %add3A_17, %add3A_22 : i32
    "tpu.region"() ({
      %run_scoped3A = tpu.sem_alloc : memref<!tpu.dma_semaphore, #tpu.memory_space<semaphore_mem>>
      %dma_start3A = tpu.memref_slice %arg8[%add3A_23] : memref<800768xf32, #tpu.memory_space<hbm>> -> memref<6256xf32, #tpu.memory_space<hbm>>
      %dma_start3A_26 = tpu.memref_slice %arg8[%add3A_23] : memref<800768xf32, #tpu.memory_space<hbm>> -> memref<6256xf32, #tpu.memory_space<hbm>>
      tpu.enqueue_dma source(%arg21 : memref<6256xf32, #tpu.memory_space<vmem>>) target(%dma_start3A_26 : memref<6256xf32, #tpu.memory_space<hbm>>) target_semaphore(%run_scoped3A : memref<!tpu.dma_semaphore, #tpu.memory_space<semaphore_mem>>)
      %dma_wait3A = tpu.memref_slice %arg8[%add3A_23] : memref<800768xf32, #tpu.memory_space<hbm>> -> memref<6256xf32, #tpu.memory_space<hbm>>
      %dma_wait3A_27 = tpu.memref_slice %arg8[%add3A_23] : memref<800768xf32, #tpu.memory_space<hbm>> -> memref<6256xf32, #tpu.memory_space<hbm>>
      tpu.wait_dma2 semaphore(%run_scoped3A : memref<!tpu.dma_semaphore, #tpu.memory_space<semaphore_mem>>) src(%arg21 : memref<6256xf32, #tpu.memory_space<vmem>>) dst(%dma_wait3A_27 : memref<6256xf32, #tpu.memory_space<hbm>>)
      tpu.yield
    }) : () -> ()
    "tpu.region"() ({
      %run_scoped3A = tpu.sem_alloc : memref<!tpu.dma_semaphore, #tpu.memory_space<semaphore_mem>>
      %dma_start3A = tpu.memref_slice %arg25[%mul3A_7] : memref<100096xf32, #tpu.memory_space<vmem_shared>> -> memref<6256xf32, #tpu.memory_space<vmem_shared>>
      %dma_start3A_26 = tpu.memref_slice %arg25[%mul3A_7] : memref<100096xf32, #tpu.memory_space<vmem_shared>> -> memref<6256xf32, #tpu.memory_space<vmem_shared>>
      tpu.enqueue_dma source(%dma_start3A_26 : memref<6256xf32, #tpu.memory_space<vmem_shared>>) target(%arg21 : memref<6256xf32, #tpu.memory_space<vmem>>) target_semaphore(%run_scoped3A : memref<!tpu.dma_semaphore, #tpu.memory_space<semaphore_mem>>)
      %dma_wait3A = tpu.memref_slice %arg25[%mul3A_7] : memref<100096xf32, #tpu.memory_space<vmem_shared>> -> memref<6256xf32, #tpu.memory_space<vmem_shared>>
      %dma_wait3A_27 = tpu.memref_slice %arg25[%mul3A_7] : memref<100096xf32, #tpu.memory_space<vmem_shared>> -> memref<6256xf32, #tpu.memory_space<vmem_shared>>
      tpu.wait_dma2 semaphore(%run_scoped3A : memref<!tpu.dma_semaphore, #tpu.memory_space<semaphore_mem>>) src(%dma_wait3A_27 : memref<6256xf32, #tpu.memory_space<vmem_shared>>) dst(%arg21 : memref<6256xf32, #tpu.memory_space<vmem>>)
      tpu.yield
    }) : () -> ()
    %add3A_24 = arith.constant 300288 : i32
    %add3A_25 = arith.addi %add3A_17, %add3A_24 : i32
    "tpu.region"() ({
      %run_scoped3A = tpu.sem_alloc : memref<!tpu.dma_semaphore, #tpu.memory_space<semaphore_mem>>
      %dma_start3A = tpu.memref_slice %arg8[%add3A_25] : memref<800768xf32, #tpu.memory_space<hbm>> -> memref<6256xf32, #tpu.memory_space<hbm>>
      %dma_start3A_26 = tpu.memref_slice %arg8[%add3A_25] : memref<800768xf32, #tpu.memory_space<hbm>> -> memref<6256xf32, #tpu.memory_space<hbm>>
      tpu.enqueue_dma source(%arg21 : memref<6256xf32, #tpu.memory_space<vmem>>) target(%dma_start3A_26 : memref<6256xf32, #tpu.memory_space<hbm>>) target_semaphore(%run_scoped3A : memref<!tpu.dma_semaphore, #tpu.memory_space<semaphore_mem>>)
      %dma_wait3A = tpu.memref_slice %arg8[%add3A_25] : memref<800768xf32, #tpu.memory_space<hbm>> -> memref<6256xf32, #tpu.memory_space<hbm>>
      %dma_wait3A_27 = tpu.memref_slice %arg8[%add3A_25] : memref<800768xf32, #tpu.memory_space<hbm>> -> memref<6256xf32, #tpu.memory_space<hbm>>
      tpu.wait_dma2 semaphore(%run_scoped3A : memref<!tpu.dma_semaphore, #tpu.memory_space<semaphore_mem>>) src(%arg21 : memref<6256xf32, #tpu.memory_space<vmem>>) dst(%dma_wait3A_27 : memref<6256xf32, #tpu.memory_space<hbm>>)
      tpu.yield
    }) : () -> ()
    return
  }
}

module attributes {stable_mosaic.version = 14 : i64} {
  func.func @body(%arg0: i32, %arg1: memref<8x128xf32, #tpu.memory_space<vmem>>, %arg2: memref<1x1x128xi32, #tpu.memory_space<vmem>>, %arg3: memref<1x128xf32, #tpu.memory_space<vmem>>, %arg4: memref<3x128xf32, #tpu.memory_space<vmem>>) attributes {dimension_semantics = [#tpu.dimension_semantics<arbitrary>], iteration_bounds = array<i64: 782>, scalar_prefetch = 0 : i64, scratch_operands = 0 : i64, tpu.core_type = #tpu.core_type<tc>, window_params = [{transform_indices = @transform_0, window_bounds = array<i64: 8, 128>}, {transform_indices = @transform_1, window_bounds = array<i64: 1, 1, 128>}, {pipeline_mode = #tpu.pipeline_mode<synchronous>, transform_indices = @transform_2, window_bounds = array<i64: 1, 128>}, {transform_indices = @transform_3, window_bounds = array<i64: 3, 128>}]} {
    %get3A = arith.constant 0 : index
    %get3A_0 = arith.constant 0 : index
    %get3A_1 = vector.load %arg1[%get3A, %get3A_0] : memref<8x128xf32, #tpu.memory_space<vmem>>, vector<8x128xf32>
    %slice3A = vector.extract_strided_slice %get3A_1 {offsets = [1, 0], sizes = [3, 128], strides = [1, 1]} : vector<8x128xf32> to vector<3x128xf32>
    %slice3A_2 = vector.extract_strided_slice %get3A_1 {offsets = [0, 0], sizes = [1, 128], strides = [1, 1]} : vector<8x128xf32> to vector<1x128xf32>
    %slice3A_3 = vector.extract_strided_slice %get3A_1 {offsets = [5, 0], sizes = [3, 128], strides = [1, 1]} : vector<8x128xf32> to vector<3x128xf32>
    %add3A = arith.addf %slice3A, %slice3A_3 : vector<3x128xf32>
    %slice3A_4 = vector.extract_strided_slice %get3A_1 {offsets = [4, 0], sizes = [1, 128], strides = [1, 1]} : vector<8x128xf32> to vector<1x128xf32>
    %add3A_5 = arith.addf %slice3A_2, %slice3A_4 : vector<1x128xf32>
    %swap3A = arith.constant 0 : index
    %swap3A_6 = arith.constant 0 : index
    %swap3A_7 = vector.load %arg4[%swap3A, %swap3A_6] : memref<3x128xf32, #tpu.memory_space<vmem>>, vector<3x128xf32>
    tpu.vector_store %arg4[%swap3A, %swap3A_6], %add3A {strides = array<i32>} : memref<3x128xf32, #tpu.memory_space<vmem>>, vector<3x128xf32>,
    %get3A_8 = arith.constant 0 : index
    %get3A_9 = arith.constant 0 : index
    %get3A_10 = arith.constant 0 : index
    %get3A_11 = vector.load %arg2[%get3A_8, %get3A_9, %get3A_10] : memref<1x1x128xi32, #tpu.memory_space<vmem>>, vector<1x1x128xi32>
    %get3A_12 = vector.shape_cast %get3A_11 : vector<1x1x128xi32> to vector<128xi32>
    %reshape3A = vector.shape_cast %get3A_12 : vector<128xi32> to vector<128x1xi32>
    %iota3A = tpu.iota {dimensions = array<i32: 1>} : vector<128x128xi32>
    %eq3A = vector.broadcast %reshape3A : vector<128x1xi32> to vector<128x128xi32>
    %eq3A_13 = arith.cmpi eq, %eq3A, %iota3A : vector<128x128xi32>
    %convert_element_type3A = arith.extui %eq3A_13 : vector<128x128xi1> to vector<128x128xi32>
    %convert_element_type3A_14 = arith.sitofp %convert_element_type3A : vector<128x128xi32> to vector<128x128xf32>
    %dot_general3A = arith.constant dense<0.000000e+00> : vector<1x128xf32>
    %dot_general3A_15 = tpu.matmul %add3A_5, %convert_element_type3A_14, %dot_general3A {dimension_numbers = #tpu.dot_dimension_numbers<[1], [0], [0], [1], [0, 0, 1, 1], [], []>, transpose_lhs_hint = false} : vector<1x128xf32>, vector<128x128xf32>, vector<1x128xf32> -> vector<1x128xf32>
    %eq3A_16 = arith.constant 0 : i32
    %eq3A_17 = arith.cmpi eq, %arg0, %eq3A_16 : i32
    %convert_element_type3A_18 = arith.extui %eq3A_17 : i1 to i32
    %cond3A = arith.constant 0 : i32
    %cond3A_19 = arith.cmpi ne, %convert_element_type3A_18, %cond3A : i32
    scf.if %cond3A_19 {
      %broadcast_in_dim3A = arith.constant 0.000000e+00 : f32
      %broadcast_in_dim3A_27 = vector.broadcast %broadcast_in_dim3A : f32 to vector<1x128xf32>
      %swap3A_28 = arith.constant 0 : index
      %swap3A_29 = arith.constant 0 : index
      %swap3A_30 = vector.load %arg3[%swap3A_28, %swap3A_29] : memref<1x128xf32, #tpu.memory_space<vmem>>, vector<1x128xf32>
      tpu.vector_store %arg3[%swap3A_28, %swap3A_29], %broadcast_in_dim3A_27 {strides = array<i32>} : memref<1x128xf32, #tpu.memory_space<vmem>>, vector<1x128xf32>,
    } else {
    }
    %get3A_20 = arith.constant 0 : index
    %get3A_21 = arith.constant 0 : index
    %get3A_22 = vector.load %arg3[%get3A_20, %get3A_21] : memref<1x128xf32, #tpu.memory_space<vmem>>, vector<1x128xf32>
    %add3A_23 = arith.addf %get3A_22, %dot_general3A_15 : vector<1x128xf32>
    %swap3A_24 = arith.constant 0 : index
    %swap3A_25 = arith.constant 0 : index
    %swap3A_26 = vector.load %arg3[%swap3A_24, %swap3A_25] : memref<1x128xf32, #tpu.memory_space<vmem>>, vector<1x128xf32>
    tpu.vector_store %arg3[%swap3A_24, %swap3A_25], %add3A_23 {strides = array<i32>} : memref<1x128xf32, #tpu.memory_space<vmem>>, vector<1x128xf32>,
    return
  }
  func.func @transform_0(%arg0: i32) -> (i32, i32) {
    %c0_i32 = arith.constant 0 : i32
    %c0_i32_0 = arith.constant 0 : i32
    return %c0_i32, %arg0 : i32, i32
  }
  func.func @transform_1(%arg0: i32) -> (i32, i32, i32) {
    %c0_i32 = arith.constant 0 : i32
    %c0_i32_0 = arith.constant 0 : i32
    %c0_i32_1 = arith.constant 0 : i32
    return %arg0, %c0_i32, %c0_i32_0 : i32, i32, i32
  }
  func.func @transform_2(%arg0: i32) -> (i32, i32) {
    %c0_i32 = arith.constant 0 : i32
    %c0_i32_0 = arith.constant 0 : i32
    %c0_i32_1 = arith.constant 0 : i32
    return %c0_i32, %c0_i32_0 : i32, i32
  }
  func.func @transform_3(%arg0: i32) -> (i32, i32) {
    %c0_i32 = arith.constant 0 : i32
    %c0_i32_0 = arith.constant 0 : i32
    return %c0_i32, %arg0 : i32, i32
  }
}

</mosaic_0001>

<sc_bundles>
// kernel: kernel.4.cloned.1.call-start
scs
__scs_entry_jumppad:
0x0: {  	(pc) =	sbr.rel $0x88, $3  }
0x1: {  	(tag) =	ssettag $0x0;
	lr =	simm.s32 $0x1  }
0x2: {  	[smem:$0x3F9C] =	sst lr;
	_ =	strace $0xD0000000  }
0x3: {  	_ = 	snop  }
0x4: {  	_ = 	snop  }
0x5: {  	_ = 	snop  }
0x6: {  	_ = 	snop  }
0x7: {  	_ = 	snop  }
__scs_overlays_trampoline_lowered:
0x8: {  	[smem:$0x3FAB] =	sst s0  }
0x9: {  	[smem:$0x3FAC] =	sst s1  }
0xa: {  	[smem:$0x3FAD] =	sst s2  }
0xb: {  	[smem:$0x3FAE] =	sst s3  }
0xc: {  	[smem:$0x3FAF] =	sst s4  }
0xd: {  	[smem:$0x3FB0] =	sst s5  }
0xe: {  	[smem:$0x3FB1] =	sst s6  }
0xf: {  	[smem:$0x3FB2] =	sst s7  }
0x10: {  	[smem:$0x3FB3] =	sst s8  }
0x11: {  	[smem:$0x3FB4] =	sst s9;
	s0 =	simm.s32 @!p0 $0x0  }
0x12: {  	s1 =	sld [smem:$0x3F9A];
	s0 =	simm.s32 @p0 $0x1  }
0x13: {  	[smem:$0x3FB5] =	sst s0;
	s0 =	simm.s32 @!p1 $0x0  }
0x14: {  	s2 =	sld [smem:$0x3F99];
	s0 =	simm.s32 @p1 $0x1  }
0x15: {  	[smem:$0x3FB6] =	sst s0;
	s0 =	simm.s32 @!p2 $0x0  }
0x16: {  	s3 =	sld [smem:$0x3FDB];
	s0 =	simm.s32 @p2 $0x1  }
0x17: {  	s4 =	simm.s32 $0x1BF5;
	[smem:$0x3FB8] =	sst s0  }
0x18: {  	s0 =	sld [smem:$0x3F9B];
	_ =	swait.ge [sflag:s4], $0x0  }
0x19: {  	s7 =	sld [smem:$0x3F9C]  }
0x1a: {  	s8 =	sadd.s32 $0xFFFFE003, lr  }
0x1b: {  	s9 =	sadd.s32 $0xFFFFFEF7, lr;
	s5 =	simm.s32 $0xFFFFFFFF;
	p2 =	slt.u32 s8, $0xFFFFF086  }
0x1c: {  	p1 =	slt.u32 s9, $0xF7A;
	s5 =	simm.s32 @!p2 $0x0  }
0x1d: {  	s5 =	simm.s32 @p1 $0x1;
	p0 =	seq.s32 s7, s2  }
0x1e: {  	s7 =	smul.u32 @!p0 $0xF7A, s2;
	p2 =	seq.s32 @!p0 s5, $0x0  }
0x1f: {  	s9 =	smul.u32 $0xF7A, s1;
	s8 =	simm.s32 @!p0 $0x1BF5;
	p2 =	por !p2, p0  }
0x20: {  	[sflag:s8] =	ssyncset.s32 @!p0 $0xFFFFF086;
	s6 =	sadd.s32 @!p0 s3, s7;
	s7 =	simm.s32 @!p0 $0x108  }
0x21: {  	s3 =	sadd.s32 s3, s9;
	s6 =	sadd.s32 @!p0 $0x88, s6;
	s7 =	simm.s32 @p2 $0x1082  }
0x22: {  	[simem:s7], [sflag:s8] =	dma.local @!p0 [hbm:s6], $0xF7A  }
0x23: {  	s9 =	sor.u32 $0xD0000000, s2;
	s6 =	simm.s32 $0x108;
	_ =	swait.ge @!p0 [sflag:s8], $0x0  }
0x24: {  	s3 =	sadd.s32 $0x88, s3;
	s6 =	simm.s32 @!p1 $0x1082;
	[sflag:s4] =	ssyncset.s32 $0xFFFFF086  }
0x25: {  	[simem:s6], [sflag:s4] =	dma.local [hbm:s3], $0xF7A  }
0x26: {  	[smem:$0x3F9C] =	sst s1;
	(tag) =	ssettag s2;
	_ =	strace s9  }
0x27: {  	s1 =	sld [smem:$0x3FAC]  }
0x28: {  	s2 =	sld [smem:$0x3FAD]  }
0x29: {  	s4 =	sld [smem:$0x3FAF]  }
0x2a: {  	p0 =	seq.s32 s5, $0x0;
	s5 =	sld [smem:$0x3FB0]  }
0x2b: {  	s6 =	sld [smem:$0x3FB1]  }
0x2c: {  	s7 =	sld [smem:$0x3FB2]  }
0x2d: {  	s3 =	simm.s32 $0x108;
	s8 =	sld [smem:$0x3FB3]  }
0x2e: {  	s3 =	simm.s32 @!p0 $0x1082;
	s9 =	sld [smem:$0x3FB4]  }
0x2f: {  	lr =	sadd.s32 s0, s3;
	s0 =	sld [smem:$0x3FAB]  }
0x30: {  	s3 =	sld [smem:$0x3FAE]  }
0x31: {  	[smem:$0x3FB7] =	sst s10  }
0x32: {  	s10 =	sld [smem:$0x3FB5];
	_ =	sdelay $0x3  }
0x33: {  	p0 =	seq.s32 s10, $0x1;
	s10 =	sld [smem:$0x3FB7];
	_ =	sdelay $0x3  }
0x34: {  	[smem:$0x3FB7] =	sst s10  }
0x35: {  	s10 =	sld [smem:$0x3FB6];
	_ =	sdelay $0x3  }
0x36: {  	p1 =	seq.s32 s10, $0x1;
	s10 =	sld [smem:$0x3FB7];
	_ =	sdelay $0x3  }
0x37: {  	[smem:$0x3FB7] =	sst s10  }
0x38: {  	s10 =	sld [smem:$0x3FB8]  }
0x39: {  	_ = 	snop;
	(pc) =	sbr.ind lr, $3  }
0x3a: {  	_ = 	snop  }
0x3b: {  	_ = 	snop  }
0x3c: {  	p2 =	seq.s32 s10, $0x1;
	s10 =	sld [smem:$0x3FB7]  }
0x3d: {  	_ =	shalt  }
0x3e: {  	_ =	shalt  }
0x3f: {  	_ =	shalt  }
0x40: {  	_ =	shalt  }
0x41: {  	_ =	shalt  }
0x42: {  	_ =	shalt  }
0x43: {  	_ =	shalt  }
0x44: {  	_ =	shalt  }
0x45: {  	_ =	shalt  }
0x46: {  	_ =	shalt  }
0x47: {  	_ =	shalt  }
0x48: {  	_ =	shalt  }
0x49: {  	_ =	shalt  }
0x4a: {  	_ =	shalt  }
0x4b: {  	_ =	shalt  }
0x4c: {  	_ =	shalt  }
0x4d: {  	_ =	shalt  }
0x4e: {  	_ =	shalt  }
0x4f: {  	_ =	shalt  }
0x50: {  	_ =	shalt  }
0x51: {  	_ =	shalt  }
0x52: {  	_ =	shalt  }
0x53: {  	_ =	shalt  }
0x54: {  	_ =	shalt  }
0x55: {  	_ =	shalt  }
0x56: {  	_ =	shalt  }
0x57: {  	_ =	shalt  }
0x58: {  	_ =	shalt  }
0x59: {  	_ =	shalt  }
0x5a: {  	_ =	shalt  }
0x5b: {  	_ =	shalt  }
0x5c: {  	_ =	shalt  }
0x5d: {  	_ =	shalt  }
0x5e: {  	_ =	shalt  }
0x5f: {  	_ =	shalt  }
0x60: {  	_ =	shalt  }
0x61: {  	_ =	shalt  }
0x62: {  	_ =	shalt  }
0x63: {  	_ =	shalt  }
0x64: {  	_ =	shalt  }
0x65: {  	_ =	shalt  }
0x66: {  	_ =	shalt  }
0x67: {  	_ =	shalt  }
0x68: {  	_ =	shalt  }
0x69: {  	_ =	shalt  }
0x6a: {  	_ =	shalt  }
0x6b: {  	_ =	shalt  }
0x6c: {  	_ =	shalt  }
0x6d: {  	_ =	shalt  }
0x6e: {  	_ =	shalt  }
0x6f: {  	_ =	shalt  }
0x70: {  	_ =	shalt  }
0x71: {  	_ =	shalt  }
0x72: {  	_ =	shalt  }
0x73: {  	_ =	shalt  }
0x74: {  	_ =	shalt  }
0x75: {  	_ =	shalt  }
0x76: {  	_ =	shalt  }
0x77: {  	_ =	shalt  }
0x78: {  	_ =	shalt  }
0x79: {  	_ =	shalt  }
0x7a: {  	_ =	shalt  }
0x7b: {  	_ =	shalt  }
0x7c: {  	_ =	shalt  }
0x7d: {  	_ =	shalt  }
0x7e: {  	_ =	shalt  }
0x7f: {  	_ =	shalt  }
0x80: {  	_ =	shalt  }
0x81: {  	_ =	shalt  }
0x82: {  	_ =	shalt  }
0x83: {  	_ =	shalt  }
0x84: {  	_ =	shalt  }
0x85: {  	_ =	shalt  }
0x86: {  	_ =	shalt  }
0x87: {  	_ =	shalt  }
.Lfunc_end0:
.L_simem_size_0:
called_computation_lowered:
.L_overlay_start_0:
0x88: {  	s2 =	sld [smem:$0x3FD9]  }
0x89: {  	s3 =	sld [smem:$0x3FFE];
	_ =	sdelay $0x1  }
0x8a: {  	s1 =	srdreg.scid  }
0x8b: {  	s0 =	sand.u32 $0x1, s1  }
0x8c: {  	s17 =	sshll.u32 s0, $0xA;
	s2 =	sadd.s32 s3, s2  }
0x8d: {  	s2 =	sadd.s32 s2, s17  }
0x8e: {  	[smem:$0x3FC3] =	sst s2  }
0x8f: {  	_ = 	snop  }
0x90: {  	s2 =	sld [smem:$0x3FC9]  }
0x91: {  	s18 =	sld [smem:$0x3FC8]  }
0x92: {  	s4 =	sld [smem:$0x3FC6];
	(tm) =	ssettm $0x1  }
0x93: {  	s5 =	sld [smem:$0x3FFB];
	_ =	sdelay $0x3  }
0x94: {  	_ =	strace s5  }
0x95: {  	s5 =	sld [smem:$0x3FFC];
	_ =	sdelay $0x3  }
0x96: {  	_ =	strace s5  }
0x97: {  	s5 =	sld [smem:$0x3FFD];
	_ =	sdelay $0x3  }
0x98: {  	_ =	strace s5  }
0x99: {  	_ =	strace $0x8FFFFFFF  }
0x9a: {  	s19 =	sld [smem:$0x3FDB];
	_ =	sdelay $0x1  }
0x9b: {  	s6 =	simm.s32 $_scs_section_size  }
0x9c: {  	s7 =	simm.s32 $_size__tile_overlayer_lowered;
	s8 =	simm.s32 $_tile_overlayer_lowered  }
0x9d: {  	s22 =	simm.s32 $0x1BFF;
	s21 =	sshll.u32 s8, $0x1;
	s5 =	sadd.s32 s6, s19  }
0x9e: {  	s9 =	simm.s32 $0x0;
	s20 =	sshll.u32 s7, $0x1;
	s7 =	sadd.s32 s21, s5  }
0x9f: {  	[timem:s9], [sflag:s22] =	dma.local [hbm:s7], s20  }
0xa0: {  	_ =	swait.ge [sflag:s22], s20  }
0xa1: {  	s6 =	ssub.s32 $0x0, s20;
	[sflag:s22] =	ssyncset.done $0x0  }
0xa2: {  	[sflag:s22] =	ssyncadd.s32 s6;
	_ =	sdelay $0x1  }
0xa3: {  	s23 =	simm.s32 $0x1B8B  }
0xa4: {  	_ =	swait.ge [sflag:s23], $0x1  }
0xa5: {  	[sflag:s23] =	ssyncset.done $0x0  }
0xa6: {  	s25 =	simm.s32 $0x1B8E;
	s24 =	sld [smem:$0x3FFE];
	[sflag:s23] =	ssyncadd.s32 $0xFFFFFFFF  }
0xa7: {  	s26 =	simm.s32 $execute0_lowered;
	[smem:$0x3FD2] =	sst s25  }
0xa8: {  	s7 =	sshll.u32 s26, $0x1;
	_ =	strace $0x80000046;
	[dreg:$0x1] =	wrdreg $0xFFFFFFFF  }
0xa9: {  	s28 =	simm.s32 $_size_execute0_lowered;
	s5 =	sadd.s32 s5, s7;
	[dreg:$0x0] =	wrdreg $0x0  }
0xaa: {  	s7 =	sshll.u32 s28, $0x1;
	[dreg:$0x2] =	wrdreg s5  }
0xab: {  	[dreg:$0x3] =	wrdreg s7  }
0xac: {  	[dreg:$0x4] =	wrdreg $0xC0  }
0xad: {  	_ =	task [dreg:s9], $0x5FFFF  }
0xae: {  	[dreg:$0x1] =	wrdreg $0xFFFFFFFF  }
0xaf: {  	[dreg:$0x0] =	wrdreg $0x60  }
0xb0: {  	[dreg:$0x2] =	wrdreg s24  }
0xb1: {  	[dreg:$0x3] =	wrdreg s2  }
0xb2: {  	[dreg:$0x4] =	wrdreg s18  }
0xb3: {  	[dreg:$0x5] =	wrdreg s4  }
0xb4: {  	[dreg:$0x6] =	wrdreg $0x116800  }
0xb5: {  	[dreg:$0x7] =	wrdreg $0x12EF00  }
0xb6: {  	[dreg:$0x8] =	wrdreg $0x147600  }
0xb7: {  	[dreg:$0x9] =	wrdreg $0x15FD00  }
0xb8: {  	[dreg:$0xa] =	wrdreg $0x9  }
0xb9: {  	_ =	task.clear_ibuf [dreg:s9], $0xBFFFF;
	_ =	strace $0x90000046  }
0xba: {  	s29 =	simm.s32 $0x9;
	_ =	strace $0x80000048  }
0xbb: {  	_ =	swait.ge [sflag:s29], $0x1  }
0xbc: {  	[sflag:s29] =	ssyncadd.s32 $0xFFFFFFFF  }
0xbd: {  	_ =	strace $0x90000048  }
0xbe: {  	_ =	sfence  }
0xbf: {  	s30 =	sld [smem:$0x0];
	_ =	sdelay $0x2  }
0xc0: {  	s31 =	sshll.u32 s1, $0xD;
	s1 =	sshrl.u32 s1, $0x2  }
0xc1: {  	s3 =	sand.u32 $0x4000, s31;
	s1 =	sadd.s32 s1, s30  }
0xc2: {  	s0 =	sor.u32 s3, s0;
	s1 =	sshll.u32 s1, $0x11  }
0xc3: {  	s0 =	sor.u32 s1, s0  }
0xc4: {  	s0 =	sadd.s32 $0x8F2B, s0  }
0xc5: {  	[sflag:s0] =	ssyncadd.remote.s32 $0x1  }
0xc6: {  	_ =	sfence.sel $0xFFFF  }
0xc7: {  	[dreg:$0x0] =	wrdreg $0xFFFFFFFF;
	(pc) =	sbr.abs _section_cstart, $3  }
0xc8: {  	[dreg:$0x1] =	wrdreg $0xFFFFFFFF  }
0xc9: {  	_ =	task.clear_ibuf [dreg:s9], $0x2FFFF;
	_ =	strace $0x9FFFFFFF  }
0xca: {  	(tm) =	ssettm $0x7FFFFFFF  }
0xcb: {  	_ =	shalt  }
tec
execute0_lowered:
.L_overlay_start_1:
0x0: {  	(tag) =	ssettag $0x1  }
0x1: {  	s0 =	rddreg [dreg:$0x0]  }
0x2: {  	s3 =	rddreg [dreg:$0x3]  }
0x3: {  	s7 =	rddreg [dreg:$0x4]  }
0x4: {  	s8 =	rddreg [dreg:$0x5]  }
0x5: {  	s13 =	rddreg [dreg:$0x6]  }
0x6: {  	s14 =	rddreg [dreg:$0x7]  }
0x7: {  	s1 =	srdreg.scid;
	s6 =	stileid.u32;
	s9 =	simm.s32 $0x0  }
0x8: {  	s28 =	simm.s32 $0x2FA0;
	s29 =	simm.s32 $0x3F80;
	s30 =	simm.s32 $0x4F80  }
0x9: {  	s31 =	simm.s32 $0x5F80;
	s18 =	simm.s32 $0x6F80;
	s19 =	simm.s32 $0x7F80  }
0xa: {  	s20 =	simm.s32 $0x8F80;
	s21 =	simm.s32 $0x1F40;
	s17 =	simm.s32 $0x0  }
0xb: {  	s1 =	sand.u32 $0x1, s1;
	s2 =	smul.u32 $0x1870, s6;
	[smem:$0x7FF] =	sst s9  }
0xc: {  	s10 =	sadd.s32 $0x187600, s0;
	s11 =	sadd.s32 $0xC4000, s0;
	s4 =	smul.u32 $0x61C00, s1  }
0xd: {  	s12 =	sadd.s32 $0xA00, s0;
	s6 =	sshll.u32 s6, $0x1;
	_ =	strace $0x80000047  }
0xe: {  	s5 =	ssub.s32 $0x2, s1;
	s15 =	sadd.s32 s2, s14;
	s4 =	sadd.s32 s2, s4  }
0xf: {  	s22 =	sshrl.u32 s5, $0x1;
	[dreg:$0xc] =	wrdreg s15;
	s4 =	sshrl.u32 s4, $0x3  }
0x10: {  	s0 =	sadd.s32 s4, s0;
	s4 =	ssub.s32 s5, s22;
	s5 =	sadd.s32 s2, s7  }
0x11: {  	s1 =	sor.u32 s1, s6;
	s7 =	sadd.s32 s2, s8;
	[dreg:$0x9] =	wrdreg s5  }
0x12: {  	s6 =	simm.s32 $0xFA0;
	s8 =	sadd.s32 s2, s13;
	[dreg:$0xa] =	wrdreg s7  }
0x13: {  	s16 =	smul.u32 $0x30D40, s1;
	s23 =	sadd.s32 $0x24AC00, s0;
	[dreg:$0xb] =	wrdreg s8  }
0x14: {  	s1 =	simm.s32 $0x1;
	s24 =	sadd.s32 $0x24DCE0, s0;
	[dreg:$0xd] =	wrdreg s23  }
0x15: {  	s14 =	simm.s32 $0xDE80;
	s25 =	sadd.s32 $0x250DC0, s0;
	[dreg:$0xe] =	wrdreg s24  }
0x16: {  	s22 =	simm.s32 $0x9F80;
	s0 =	sadd.s32 $0x253EA0, s0;
	[dreg:$0xf] =	wrdreg s25  }
0x17: {  	s13 =	simm.s32 $0xBF00;
	s26 =	smax.u32 s4, $0x1;
	[dreg:$0x10] =	wrdreg s0  }
0x18: {  	s2 =	simm.s32 $0x0;
	s4 =	simm.s32 $0xFE00;
	[dreg:$0x11] =	wrdreg s26  }
0x19: {  	v0 =	vimm.f32 $0.0e+00;
	s24 =	simm.s32 $0x2;
	s25 =	simm.s32 $0x1000;
	s26 =	simm.s32 $0x2000  }
.LBB2_1:
0x1a: {  	[dreg:$0x12] =	wrdreg s2;
	s0 =	simm.s32 $0x40;
	s2 =	simm.s32 $0x0  }
.LBB2_2:
0x1b: {  	p0 =	sne.s32 s0, $0x6180;
	[tilespmem:s2+$0xFE00] =	vst v0;
	s2 =	smov.u32 s0;
	s0 =	sadd.s32 $0x40, s0  }
.Ltmp0:
0x1c: {  	(pc) =	sbr.rel @p0 .LBB2_2-.Ltmp0, $2  }
0x1d: {  	_ =	sdelay $0x2  }
0x1e: {  	s2 =	sshra.s32 s2, $0x2  }
0x1f: {  	[tilespmem:s2+$0xFE00] =	vst v0  }
0x20: {  	[spmem:s5] =	stream.linear.scatter [tilespmem:s4], [sflag:$0x2], $0x1870, $0x38;
	[tilespmem:$0x17840] =	vst v63  }
0x21: {  	_ =	swait.ge [sflag:s24], $0x1870  }
0x22: {  	[sflag:s24] =	ssyncset.done $0x0  }
0x23: {  	[sflag:s24] =	ssyncadd.s32 $0xFFFFE790  }
0x24: {  	[spmem:s7] =	stream.linear.scatter [tilespmem:s4], [sflag:$0x2], $0x1870, $0x38;
	[tilespmem:$0x17840] =	vst v63  }
0x25: {  	_ =	swait.ge [sflag:s24], $0x1870  }
0x26: {  	[sflag:s24] =	ssyncset.done $0x0  }
0x27: {  	[sflag:s24] =	ssyncadd.s32 $0xFFFFE790  }
0x28: {  	[spmem:s8] =	stream.linear.scatter [tilespmem:s4], [sflag:$0x2], $0x1870, $0x38;
	[tilespmem:$0x17840] =	vst v63  }
0x29: {  	_ =	swait.ge [sflag:s24], $0x1870  }
0x2a: {  	[sflag:s24] =	ssyncset.done $0x0  }
0x2b: {  	[sflag:s24] =	ssyncadd.s32 $0xFFFFE790  }
0x2c: {  	[spmem:s15] =	stream.linear.scatter [tilespmem:s4], [sflag:$0x2], $0x1870, $0x38;
	[tilespmem:$0x17840] =	vst v63  }
0x2d: {  	_ =	swait.ge [sflag:s24], $0x1870  }
0x2e: {  	[sflag:s24] =	ssyncset.done $0x0  }
0x2f: {  	[sflag:s24] =	ssyncadd.s32 $0xFFFFE790  }
0x30: {  	s23 =	simm.s32 $0x0;
	[bflag:$0x0] =	sbarrier.arrive $0xFFFF  }
.LBB2_4:
0x31: {  	s0 =	smul.u32 $0xFA0, s23;
	_ =	sdelay $0x1  }
0x32: {  	s0 =	sadd.s32 s16, s0  }
0x33: {  	s2 =	rddreg [dreg:$0x1];
	s0 =	sshrl.u32 s0, $0x3  }
0x34: {  	s4 =	rddreg [dreg:$0x2];
	s2 =	sadd.s32 s2, s0  }
0x35: {  	[tilespmem:s17], [sflag:$0x1] =	stream.linear.gather [hbm4b:s2+s17], $0xFA0, $0x38;
	[tilespmem:$0x17840] =	vst v63  }
0x36: {  	s4 =	sadd.s32 s4, s0  }
0x37: {  	[tilespmem:s25], [sflag:$0x1] =	stream.linear.gather [hbm4b:s4+s17], $0xFA0, $0x38;
	[tilespmem:$0x17840] =	vst v63  }
0x38: {  	_ = 	snop  }
0x39: {  	[tilespmem:s26], [sflag:$0x1] =	stream.linear.gather [hbm4b:s2+s17], $0xFA0, $0x38;
	[tilespmem:$0x17840] =	vst v63  }
0x3a: {  	_ = 	snop  }
0x3b: {  	[tilespmem:s28], [sflag:$0x1] =	stream.linear.gather [hbm4b:s4+s17], $0xFA0, $0x38;
	[tilespmem:$0x17840] =	vst v63  }
0x3c: {  	s8 =	sadd.s32 s10, s0  }
0x3d: {  	[tilespmem:s29], [sflag:$0x1] =	stream.linear.gather [hbm4b:s8+s17], $0xFA0, $0x38;
	[tilespmem:$0x17840] =	vst v63  }
0x3e: {  	s15 =	sadd.s32 s11, s0  }
0x3f: {  	[tilespmem:s30], [sflag:$0x1] =	stream.linear.gather [hbm4b:s15+s17], $0xFA0, $0x38;
	[tilespmem:$0x17840] =	vst v63  }
0x40: {  	s0 =	sadd.s32 s12, s0  }
0x41: {  	[tilespmem:s31], [sflag:$0x1] =	stream.linear.gather [hbm4b:s0+s17], $0xFA0, $0x38;
	[tilespmem:$0x17840] =	vst v63  }
0x42: {  	_ =	swait.ge [sflag:s1], $0xFA0  }
0x43: {  	[sflag:s1] =	ssyncset.done $0x0  }
0x44: {  	[sflag:s1] =	ssyncadd.s32 $0xFFFFF060  }
0x45: {  	_ =	swait.ge [sflag:s1], $0xFA0  }
0x46: {  	[sflag:s1] =	ssyncset.done $0x0  }
0x47: {  	[sflag:s1] =	ssyncadd.s32 $0xFFFFF060  }
0x48: {  	_ =	swait.ge [sflag:s1], $0xFA0  }
0x49: {  	[sflag:s1] =	ssyncset.done $0x0  }
0x4a: {  	[sflag:s1] =	ssyncadd.s32 $0xFFFFF060  }
0x4b: {  	_ =	swait.ge [sflag:s1], $0xFA0  }
0x4c: {  	[sflag:s1] =	ssyncset.done $0x0  }
0x4d: {  	[sflag:s1] =	ssyncadd.s32 $0xFFFFF060  }
0x4e: {  	_ =	swait.ge [sflag:s1], $0xFA0  }
0x4f: {  	[sflag:s1] =	ssyncset.done $0x0  }
0x50: {  	[sflag:s1] =	ssyncadd.s32 $0xFFFFF060  }
0x51: {  	_ =	swait.ge [sflag:s1], $0xFA0  }
0x52: {  	[sflag:s1] =	ssyncset.done $0x0  }
0x53: {  	[sflag:s1] =	ssyncadd.s32 $0xFFFFF060  }
0x54: {  	_ =	swait.ge [sflag:s1], $0xFA0  }
0x55: {  	[sflag:s1] =	ssyncset.done $0x0  }
0x56: {  	[sflag:s1] =	ssyncadd.s32 $0xFFFFF060  }
0x57: {  	[tilespmem:s18], [sflag:$0x1] =	stream.indirect.gather [hbm4b:s3+s6], $0x1, s17, s6, $0xb8;
	[tilespmem:$0x17840] =	vst v63  }
0x58: {  	_ = 	snop  }
0x59: {  	[tilespmem:s19], [sflag:$0x1] =	stream.indirect.gather [hbm4b:s3+s6], $0x1, s25, s6, $0xb8;
	[tilespmem:$0x17840] =	vst v63  }
0x5a: {  	_ =	swait.ge [sflag:s1], $0xFA0  }
0x5b: {  	[sflag:s1] =	ssyncset.done $0x0  }
0x5c: {  	[sflag:s1] =	ssyncadd.s32 $0xFFFFF060  }
0x5d: {  	_ =	swait.ge [sflag:s1], $0xFA0  }
0x5e: {  	[sflag:s1] =	ssyncset.done $0x0  }
0x5f: {  	s7 =	simm.s32 $0x0;
	[sflag:s1] =	ssyncadd.s32 $0xFFFFF060  }
0x60: {  	v13 =	vld [tilespmem:s7+$0x3F80]  }
0x61: {  	v19 =	vld [tilespmem:s7+$0x4F80];
	_ =	sdelay $0x1  }
0x62: {  	v14 =	vld [tilespmem:s7+$0x5F80];
	_ =	sdelay $0x2  }
0x63: {  	v1 =	vmul.f32 v13, v13;
	v2 =	vmul.f32 v19, v19;
	_ =	sdelay $0x1  }
0x64: {  	v1 =	vadd.f32 v2, v1;
	v2 =	vmul.f32 v14, v14;
	_ =	sdelay $0x1  }
0x65: {  	v1 =	vadd.f32 v2, v1;
	_ =	sdelay $0x1  }
0x66: {  	s4 =	simm.s32 $0x10;
	v2 =	vshra.s32 v1, $0x1;
	v4 =	vmul.f32 $5.000000000e-01, v1  }
0x67: {  	v12 =	vld [tilespmem:s4+$0x3F80];
	v2 =	vsub.s32 $0x5F3759DF, v2  }
0x68: {  	v10 =	vld [tilespmem:s4+$0x4F80];
	v3 =	vmul.f32 v2, v4;
	_ =	sdelay $0x1  }
0x69: {  	v11 =	vld [tilespmem:s4+$0x5F80];
	v3 =	vmul.f32 v2, v3;
	_ =	sdelay $0x1  }
0x6a: {  	v3 =	vsub.f32 $1.500000000e+00, v3  }
0x6b: {  	v5 =	vmul.f32 v12, v12;
	v6 =	vmul.f32 v10, v10  }
0x6c: {  	v2 =	vmul.f32 v2, v3  }
0x6d: {  	v3 =	vadd.f32 v6, v5;
	v5 =	vmul.f32 v11, v11  }
0x6e: {  	v6 =	vmul.f32 v2, v4  }
0x6f: {  	v8 =	vadd.f32 v5, v3  }
0x70: {  	v3 =	vmul.f32 v6, v2  }
0x71: {  	s15 =	simm.s32 $0x20;
	v5 =	vshra.s32 v8, $0x1;
	v15 =	vmul.f32 $5.000000000e-01, v8  }
0x72: {  	v7 =	vld [tilespmem:s15+$0x3F80];
	v5 =	vsub.s32 $0x5F3759DF, v5;
	v6 =	vsub.f32 $1.500000000e+00, v3  }
0x73: {  	v3 =	vld [tilespmem:s15+$0x4F80];
	v16 =	vmul.f32 v5, v15  }
0x74: {  	v2 =	vmul.f32 v6, v2  }
0x75: {  	v9 =	vld [tilespmem:s15+$0x5F80];
	v6 =	vmul.f32 v5, v16  }
0x76: {  	v4 =	vmul.f32 v2, v4  }
0x77: {  	v16 =	vmul.f32 v7, v7;
	v6 =	vsub.f32 $1.500000000e+00, v6  }
0x78: {  	v17 =	vmul.f32 v3, v3;
	v4 =	vmul.f32 v4, v2  }
0x79: {  	v5 =	vmul.f32 v5, v6  }
0x7a: {  	v6 =	vadd.f32 v17, v16;
	v16 =	vmul.f32 v9, v9;
	v4 =	vsub.f32 $1.500000000e+00, v4  }
0x7b: {  	v17 =	vmul.f32 v5, v15  }
0x7c: {  	v21 =	vadd.f32 v16, v6;
	v18 =	vmul.f32 v4, v2  }
0x7d: {  	s2 =	simm.s32 $0x30;
	v2 =	vmul.f32 v17, v5  }
0x7e: {  	v6 =	vld [tilespmem:s2+$0x3F80];
	v4 =	vshra.s32 v21, $0x1;
	v22 =	vmul.f32 $5.000000000e-01, v21;
	v1 =	vmul.f32 v18, v1  }
0x7f: {  	v2 =	vsub.f32 $1.500000000e+00, v2;
	v16 =	vsub.s32 $0x5F3759DF, v4;
	v4 =	vld [tilespmem:s2+$0x4F80]  }
0x80: {  	v17 =	vmul.f32 v16, v22;
	v1 =	vmul.f32 $8.500000000e+00, v1  }
0x81: {  	v2 =	vmul.f32 v2, v5  }
0x82: {  	v5 =	vld [tilespmem:s2+$0x5F80];
	v17 =	vmul.f32 v16, v17;
	v1 =	vadd.f32 $-1.870000080e+01, v1  }
0x83: {  	v20 =	vmul.f32 v6, v6;
	v15 =	vmul.f32 v2, v15  }
0x84: {  	v17 =	vsub.f32 $1.500000000e+00, v17;
	v23 =	vmul.f32 v4, v4;
	v1 =	vmin.f32 v1, $0.0e+00  }
0x85: {  	v15 =	vmul.f32 v15, v2;
	v1 =	vmul.f32 $1.442695020e+00, v1  }
0x86: {  	v25 =	vmul.f32 v16, v17;
	v17 =	vadd.f32 v23, v20  }
0x87: {  	v20 =	vmul.f32 v5, v5;
	(erf) = vpow2.f32 v1;
	v1 =	vsub.f32 $1.500000000e+00, v15  }
0x88: {  	v24 =	vld [tilespmem:s7+$0x6F80];
	v23 =	vmul.f32 v25, v22  }
0x89: {  	v15 =	vld [tilespmem:s7+$0x7F80];
	v17 =	vadd.f32 v20, v17;
	v16 =	vmul.f32 v1, v2  }
0x8a: {  	v2 =	vmul.f32 v23, v25  }
0x8b: {  	v23 =	vshra.s32 v17, $0x1;
	v20 =	vmul.f32 $5.000000000e-01, v17;
	v8 =	vmul.f32 v16, v8  }
0x8c: {  	v23 =	vsub.s32 $0x5F3759DF, v23  }
0x8d: {  	v26 =	vmul.f32 v23, v20;
	v8 =	vmul.f32 $8.500000000e+00, v8  }
0x8e: {  	v15 =	vmul.f32 v15, v24  }
0x8f: {  	v24 =	vsub.f32 $1.500000000e+00, v2;
	v26 =	vmul.f32 v23, v26  }
0x90: {  	s0 =	simm.s32 $0x40;
	v29 =	vld [tilespmem:s4+$0x6F80];
	v15 =	vmul.f32 $7.199822900e+00, v15  }
0x91: {  	v1 =	vld [tilespmem:s0+$0x3F80];
	v24 =	vmul.f32 v24, v25;
	v25 =	vadd.f32 $-1.870000080e+01, v8;
	v26 =	vsub.f32 $1.500000000e+00, v26;
	v8 =	vpop (erf)  }
0x92: {  	v2 =	vld [tilespmem:s0+$0x4F80];
	v15 =	vmul.f32 v8, v15  }
0x93: {  	v22 =	vmul.f32 v24, v22;
	v25 =	vmin.f32 v25, $0.0e+00;
	v23 =	vmul.f32 v23, v26;
	v26 =	vld [tilespmem:s4+$0x7F80]  }
0x94: {  	v8 =	vld [tilespmem:s0+$0x5F80];
	v25 =	vmul.f32 $1.442695020e+00, v25;
	v15 =	vmul.f32 v15, v18  }
0x95: {  	v22 =	vmul.f32 v22, v24  }
0x96: {  	(erf) = vpow2.f32 v25;
	v18 =	vmul.f32 v18, v18;
	v25 =	vadd.f32 v15, v15  }
0x97: {  	v27 =	vmul.f32 v1, v1;
	v28 =	vmul.f32 v2, v2  }
0x98: {  	v30 =	vmul.f32 v23, v20;
	v22 =	vsub.f32 $1.500000000e+00, v22;
	v25 =	vmul.f32 v25, v18  }
0x99: {  	v27 =	vadd.f32 v28, v27;
	v26 =	vmul.f32 v26, v29;
	v28 =	vmul.f32 v8, v8  }
0x9a: {  	v18 =	vmul.f32 v22, v24;
	v14 =	vmul.f32 v25, v14  }
0x9b: {  	s5 =	simm.s32 $0x50;
	[tilespmem:s7+$0x8F80] =	vst v15;
	v22 =	vmul.f32 v30, v23;
	v24 =	vmul.f32 v25, v13  }
0x9c: {  	v15 =	vadd.f32 v28, v27;
	v13 =	vld [tilespmem:s5+$0x3F80];
	v27 =	vmul.f32 v18, v21;
	v29 =	vsub.f32 $0.0e+00, v14  }
0x9d: {  	v30 =	vsub.f32 $1.500000000e+00, v22;
	[tilespmem:s7+$0x9F80] =	vst v24  }
0x9e: {  	v28 =	vshra.s32 v15, $0x1;
	v21 =	vmul.f32 $5.000000000e-01, v15;
	v31 =	vmul.f32 $8.500000000e+00, v27;
	[tilespmem:s7+$0xDE80] =	vst v14  }
0x9f: {  	v26 =	vmul.f32 $7.199822900e+00, v26;
	v25 =	vmul.f32 v25, v19;
	v22 =	vsub.s32 $0x5F3759DF, v28;
	v14 =	vld [tilespmem:s5+$0x4F80]  }
0xa0: {  	s8 =	simm.s32 $0x180;
	v23 =	vmul.f32 v30, v23;
	v27 =	vmul.f32 v22, v21;
	[tilespmem:s7+$0xEE20] =	vst v29;
	v28 =	vadd.f32 $-1.870000080e+01, v31;
	v29 =	vpop (erf)  }
.LBB2_5:
0xa1: {  	p0 =	sne.s32 s8, $0x3E40;
	v19 =	vmul.f32 v13, v13;
	v26 =	vmul.f32 v29, v26;
	[tilespmem:s7+$0xBF00] =	vst v25;
	v24 =	vsub.f32 $0.0e+00, v24;
	v29 =	vmovc v13  }
0xa2: {  	v31 =	vmovc v10;
	v30 =	vld [tilespmem:s5+$0x5F80];
	v13 =	vmul.f32 v22, v27;
	v27 =	vmul.f32 v23, v20;
	v28 =	vmin.f32 v28, $0.0e+00;
	v20 =	vmovc v21  }
0xa3: {  	v10 =	vmovc v3;
	v3 =	vmovc v4;
	v21 =	vmul.f32 $1.442695020e+00, v28;
	v26 =	vmul.f32 v26, v16;
	[tilespmem:s7+$0xAF20] =	vst v24;
	v24 =	vsub.f32 $0.0e+00, v25  }
0xa4: {  	v4 =	vmovc v2;
	v25 =	vmul.f32 v14, v14;
	v13 =	vsub.f32 $1.500000000e+00, v13;
	v27 =	vmul.f32 v27, v23;
	v2 =	vmovc v14  }
0xa5: {  	v28 =	vmul.f32 v16, v16;
	v16 =	vmovc v18;
	v14 =	vld [tilespmem:s15+$0x6F80];
	(erf) = vpow2.f32 v21;
	v21 =	vadd.f32 v26, v26;
	[tilespmem:s7+$0xCEA0] =	vst v24;
	s7 =	smov.u32 s4;
	s4 =	smov.u32 s15;
	s15 =	smov.u32 s2  }
0xa6: {  	s2 =	smov.u32 s0;
	s0 =	smov.u32 s5;
	v32 =	vmul.f32 v22, v13;
	v13 =	vsub.f32 $1.500000000e+00, v27;
	v22 =	vld [tilespmem:s4+$0x7F80];
	[tilespmem:s7+$0x8F80] =	vst v26  }
0xa7: {  	v19 =	vadd.f32 v25, v19;
	v24 =	vmul.f32 v30, v30;
	v25 =	vmul.f32 v21, v28  }
0xa8: {  	v21 =	vmul.f32 v32, v20;
	v18 =	vmul.f32 v13, v23  }
0xa9: {  	s5 =	sshra.s32 s8, $0x2;
	v19 =	vadd.f32 v24, v19;
	v24 =	vmul.f32 v25, v12;
	v34 =	vmul.f32 v25, v11;
	v11 =	vmovc v9  }
.Ltmp1:
0xaa: {  	v9 =	vmovc v5;
	v5 =	vmovc v8;
	v8 =	vmov v30;
	v13 =	vld [tilespmem:s5+$0x3F80];
	v23 =	vmul.f32 v21, v32;
	v26 =	vmul.f32 v18, v17;
	(pc) =	sbr.rel @p0 .LBB2_5-.Ltmp1, $4  }
0xab: {  	v17 =	vmovc v15;
	v27 =	vshra.s32 v19, $0x1;
	v28 =	vmul.f32 v22, v14;
	[tilespmem:s7+$0x9F80] =	vst v24;
	v30 =	vsub.f32 $0.0e+00, v34;
	v15 =	vmovc v19  }
0xac: {  	v12 =	vmovc v7;
	v7 =	vmovc v6;
	v21 =	vmul.f32 $5.000000000e-01, v15;
	v19 =	vsub.f32 $1.500000000e+00, v23;
	v33 =	vmul.f32 $8.500000000e+00, v26;
	[tilespmem:s7+$0xDE80] =	vst v34  }
0xad: {  	v25 =	vmul.f32 v25, v31;
	v6 =	vmovc v1;
	v1 =	vmovc v29;
	v22 =	vsub.s32 $0x5F3759DF, v27;
	v14 =	vld [tilespmem:s5+$0x4F80];
	v26 =	vmul.f32 $7.199822900e+00, v28;
	[tilespmem:s7+$0xEE20] =	vst v30  }
0xae: {  	s8 =	sadd.s32 $0x40, s8;
	v27 =	vmul.f32 v22, v21;
	v23 =	vmul.f32 v19, v32;
	v28 =	vadd.f32 $-1.870000080e+01, v33;
	v29 =	vpop (erf)  }
0xaf: {  	[tilespmem:s7+$0xBF00] =	vst v25  }
0xb0: {  	v30 =	vmul.f32 v13, v13;
	v19 =	vld [tilespmem:s5+$0x5F80]  }
0xb1: {  	v26 =	vmul.f32 v29, v26;
	v49 =	vmul.f32 v16, v16  }
0xb2: {  	v24 =	vsub.f32 $0.0e+00, v24;
	v20 =	vmul.f32 v23, v20;
	v27 =	vmul.f32 v22, v27  }
0xb3: {  	v28 =	vmin.f32 v28, $0.0e+00;
	v26 =	vmul.f32 v26, v16;
	v43 =	vmul.f32 v14, v14  }
0xb4: {  	v28 =	vmul.f32 $1.442695020e+00, v28;
	v20 =	vmul.f32 v20, v23;
	v45 =	vsub.f32 $1.500000000e+00, v27  }
0xb5: {  	v48 =	vadd.f32 v26, v26;
	v29 =	vadd.f32 v43, v30;
	v47 =	vmul.f32 v19, v19  }
0xb6: {  	v44 =	vsub.f32 $0.0e+00, v25;
	v20 =	vsub.f32 $1.500000000e+00, v20;
	v50 =	vmul.f32 v22, v45  }
0xb7: {  	[tilespmem:s7+$0xAF20] =	vst v24;
	(erf) = vpow2.f32 v28;
	v16 =	vmul.f32 v48, v49;
	v52 =	vadd.f32 v47, v29  }
0xb8: {  	v46 =	vld [tilespmem:s15+$0x6F80];
	[tilespmem:s7+$0xCEA0] =	vst v44;
	v20 =	vmul.f32 v20, v23;
	v53 =	vmul.f32 v50, v21  }
0xb9: {  	v51 =	vld [tilespmem:s15+$0x7F80];
	v12 =	vmul.f32 v16, v12;
	v54 =	vshra.s32 v52, $0x1;
	v29 =	vmul.f32 $5.000000000e-01, v52  }
0xba: {  	v11 =	vmul.f32 v16, v11;
	v17 =	vmul.f32 v20, v17;
	v28 =	vsub.s32 $0x5F3759DF, v54  }
0xbb: {  	v10 =	vmul.f32 v16, v10;
	v55 =	vmul.f32 v28, v29  }
0xbc: {  	[tilespmem:s4+$0x8F80] =	vst v26;
	v24 =	vmul.f32 v53, v50;
	v17 =	vmul.f32 $8.500000000e+00, v17  }
0xbd: {  	[tilespmem:s4+$0x9F80] =	vst v12;
	v56 =	vsub.f32 $0.0e+00, v11;
	v12 =	vsub.f32 $0.0e+00, v12;
	v58 =	vmul.f32 v28, v55  }
0xbe: {  	v25 =	vmul.f32 v51, v46;
	[tilespmem:s4+$0xDE80] =	vst v11;
	v59 =	vsub.f32 $1.500000000e+00, v24;
	v57 =	vadd.f32 $-1.870000080e+01, v17  }
0xbf: {  	[tilespmem:s4+$0xBF00] =	vst v10;
	v10 =	vsub.f32 $0.0e+00, v10;
	v16 =	vsub.f32 $1.500000000e+00, v58  }
0xc0: {  	v60 =	vmul.f32 $7.199822900e+00, v25;
	[tilespmem:s4+$0xEE20] =	vst v56;
	v17 =	vmul.f32 v59, v50;
	v11 =	vmin.f32 v57, $0.0e+00  }
0xc1: {  	[tilespmem:s4+$0xAF20] =	vst v12;
	v61 =	vpop (erf);
	v11 =	vmul.f32 $1.442695020e+00, v11;
	v16 =	vmul.f32 v28, v16  }
0xc2: {  	v63 =	vld [tilespmem:s2+$0x6F80];
	[tilespmem:s4+$0xCEA0] =	vst v10;
	v62 =	vmul.f32 v61, v60;
	v30 =	vmul.f32 v17, v21  }
0xc3: {  	v32 =	vld [tilespmem:s2+$0x7F80];
	(erf) = vpow2.f32 v11;
	v33 =	vmul.f32 v16, v29  }
0xc4: {  	v21 =	vmul.f32 v30, v17  }
0xc5: {  	v31 =	vmul.f32 v62, v18;
	v12 =	vmul.f32 v33, v16  }
0xc6: {  	v21 =	vsub.f32 $1.500000000e+00, v21  }
0xc7: {  	v35 =	vmul.f32 v18, v18;
	v34 =	vadd.f32 v31, v31;
	v12 =	vsub.f32 $1.500000000e+00, v12  }
0xc8: {  	v11 =	vmul.f32 v32, v63;
	v17 =	vmul.f32 v21, v17  }
0xc9: {  	v18 =	vmul.f32 v34, v35;
	v12 =	vmul.f32 v12, v16  }
0xca: {  	v11 =	vmul.f32 $7.199822900e+00, v11;
	v15 =	vmul.f32 v17, v15  }
0xcb: {  	v7 =	vmul.f32 v18, v7;
	v37 =	vmul.f32 v12, v29  }
0xcc: {  	v9 =	vmul.f32 v18, v9;
	v15 =	vmul.f32 $8.500000000e+00, v15;
	v36 =	vpop (erf)  }
0xcd: {  	[tilespmem:s15+$0x8F80] =	vst v31;
	v38 =	vmul.f32 v36, v11;
	v40 =	vmul.f32 v37, v12  }
0xce: {  	v3 =	vmul.f32 v18, v3;
	[tilespmem:s15+$0x9F80] =	vst v7;
	v39 =	vsub.f32 $0.0e+00, v9  }
0xcf: {  	[tilespmem:s15+$0xDE80] =	vst v9;
	v43 =	vadd.f32 $-1.870000080e+01, v15;
	v41 =	vmul.f32 v38, v20;
	v42 =	vsub.f32 $1.500000000e+00, v40  }
0xd0: {  	v45 =	vmul.f32 v20, v20;
	v7 =	vsub.f32 $0.0e+00, v7;
	[tilespmem:s15+$0xBF00] =	vst v3;
	v3 =	vsub.f32 $0.0e+00, v3  }
0xd1: {  	[tilespmem:s15+$0xEE20] =	vst v39;
	v47 =	vmin.f32 v43, $0.0e+00;
	v44 =	vadd.f32 v41, v41;
	v46 =	vmul.f32 v42, v12  }
0xd2: {  	[tilespmem:s15+$0xAF20] =	vst v7;
	v10 =	vmul.f32 $1.442695020e+00, v47  }
0xd3: {  	v48 =	vld [tilespmem:s0+$0x6F80];
	[tilespmem:s15+$0xCEA0] =	vst v3;
	v49 =	vmul.f32 v44, v45;
	v3 =	vmul.f32 v46, v52  }
0xd4: {  	(erf) = vpow2.f32 v10  }
0xd5: {  	v6 =	vmul.f32 v49, v6;
	v3 =	vmul.f32 $8.500000000e+00, v3  }
0xd6: {  	v50 =	vld [tilespmem:s0+$0x7F80];
	[tilespmem:s2+$0x8F80] =	vst v41;
	v5 =	vmul.f32 v49, v5  }
0xd7: {  	v4 =	vmul.f32 v49, v4;
	[tilespmem:s2+$0x9F80] =	vst v6;
	v3 =	vadd.f32 $-1.870000080e+01, v3  }
0xd8: {  	v51 =	vsub.f32 $0.0e+00, v5;
	[tilespmem:s2+$0xDE80] =	vst v5  }
0xd9: {  	v52 =	vsub.f32 $0.0e+00, v6;
	[tilespmem:s2+$0xBF00] =	vst v4;
	v3 =	vmin.f32 v3, $0.0e+00  }
0xda: {  	v4 =	vsub.f32 $0.0e+00, v4;
	[tilespmem:s2+$0xEE20] =	vst v51;
	v3 =	vmul.f32 $1.442695020e+00, v3  }
0xdb: {  	v53 =	vmul.f32 v50, v48;
	[tilespmem:s2+$0xAF20] =	vst v52  }
0xdc: {  	v54 =	vld [tilespmem:s5+$0x6F80];
	[tilespmem:s2+$0xCEA0] =	vst v4;
	(erf) = vpow2.f32 v3  }
0xdd: {  	v4 =	vld [tilespmem:s5+$0x7F80];
	v3 =	vmul.f32 $7.199822900e+00, v53  }
0xde: {  	v55 =	vpop (erf)  }
0xdf: {  	v3 =	vmul.f32 v55, v3;
	_ =	sdelay $0x1  }
0xe0: {  	v3 =	vmul.f32 v3, v17  }
0xe1: {  	v4 =	vmul.f32 v4, v54  }
0xe2: {  	v57 =	vmul.f32 v17, v17;
	v56 =	vadd.f32 v3, v3  }
0xe3: {  	v4 =	vmul.f32 $7.199822900e+00, v4  }
0xe4: {  	v5 =	vmul.f32 v56, v57;
	v58 =	vpop (erf)  }
0xe5: {  	v4 =	vmul.f32 v58, v4  }
0xe6: {  	v1 =	vmul.f32 v5, v1  }
0xe7: {  	[tilespmem:s0+$0x8F80] =	vst v3;
	v59 =	vmul.f32 v5, v8;
	v3 =	vmul.f32 v4, v46  }
0xe8: {  	v2 =	vmul.f32 v5, v2;
	[tilespmem:s0+$0x9F80] =	vst v1  }
0xe9: {  	v62 =	vmul.f32 v46, v46;
	v60 =	vsub.f32 $0.0e+00, v59;
	[tilespmem:s0+$0xDE80] =	vst v59;
	v61 =	vadd.f32 v3, v3  }
0xea: {  	v1 =	vsub.f32 $0.0e+00, v1;
	[tilespmem:s0+$0xBF00] =	vst v2  }
0xeb: {  	v2 =	vsub.f32 $0.0e+00, v2;
	[tilespmem:s0+$0xEE20] =	vst v60;
	v63 =	vmul.f32 v61, v62  }
0xec: {  	[tilespmem:s0+$0xAF20] =	vst v1  }
0xed: {  	[tilespmem:s0+$0xCEA0] =	vst v2;
	v1 =	vmul.f32 v63, v13;
	v2 =	vmul.f32 v63, v19  }
0xee: {  	[tilespmem:s5+$0x8F80] =	vst v3  }
0xef: {  	[tilespmem:s5+$0x9F80] =	vst v1;
	v3 =	vsub.f32 $0.0e+00, v2  }
0xf0: {  	[tilespmem:s5+$0xDE80] =	vst v2;
	v2 =	vmul.f32 v63, v14  }
0xf1: {  	v1 =	vsub.f32 $0.0e+00, v1;
	[tilespmem:s5+$0xEE20] =	vst v3  }
0xf2: {  	[tilespmem:s5+$0xBF00] =	vst v2;
	v2 =	vsub.f32 $0.0e+00, v2  }
0xf3: {  	[tilespmem:s5+$0xAF20] =	vst v1  }
0xf4: {  	[tilespmem:s5+$0xCEA0] =	vst v2;
	s5 =	rddreg [dreg:$0x4]  }
0xf5: {  	[spmem:s5] =	stream.indirect.scatter.add.f32 [tilespmem:s20], [sflag:$0x1], $0x1, s9, s6, $0xb8;
	[tilespmem:$0x17840] =	vst v63  }
0xf6: {  	s7 =	rddreg [dreg:$0x5]  }
0xf7: {  	[spmem:s7] =	stream.indirect.scatter.add.f32 [tilespmem:s22], [sflag:$0x1], $0x1, s26, s21, $0xb8;
	[tilespmem:$0x17840] =	vst v63  }
0xf8: {  	s8 =	rddreg [dreg:$0x6]  }
0xf9: {  	[spmem:s8] =	stream.indirect.scatter.add.f32 [tilespmem:s13], [sflag:$0x1], $0x1, s26, s21, $0xb8;
	[tilespmem:$0x17840] =	vst v63  }
0xfa: {  	s15 =	rddreg [dreg:$0x7]  }
0xfb: {  	[spmem:s15] =	stream.indirect.scatter.add.f32 [tilespmem:s14], [sflag:$0x1], $0x1, s26, s21, $0xb8;
	[tilespmem:$0x17840] =	vst v63  }
0xfc: {  	_ =	swait.ge [sflag:s1], $0xFA0  }
0xfd: {  	[sflag:s1] =	ssyncset.done $0x0  }
0xfe: {  	[sflag:s1] =	ssyncadd.s32 $0xFFFFF060  }
0xff: {  	_ =	swait.ge [sflag:s1], $0x1F40  }
0x100: {  	[sflag:s1] =	ssyncset.done $0x0  }
0x101: {  	s23 =	sadd.s32 $0x1, s23;
	[sflag:s1] =	ssyncadd.s32 $0xFFFFE0C0  }
0x102: {  	p0 =	sne.s32 s23, $0x32;
	_ =	swait.ge [sflag:s1], $0x1F40  }
.Ltmp2:
0x103: {  	[sflag:s1] =	ssyncset.done $0x0;
	(pc) =	sbr.rel @p0 .LBB2_4-.Ltmp2, $4  }
0x104: {  	[sflag:s1] =	ssyncadd.s32 $0xFFFFE0C0  }
0x105: {  	_ =	swait.ge [sflag:s1], $0x1F40  }
0x106: {  	[sflag:s1] =	ssyncset.done $0x0  }
0x107: {  	[sflag:s1] =	ssyncadd.s32 $0xFFFFE0C0  }
0x108: {  	[bflag:$0x0] =	sbarrier.arrive $0xFFFF  }
0x109: {  	s4 =	simm.s32 $0xFE00;
	s5 =	rddreg [dreg:$0x9]  }
0x10a: {  	[tilespmem:s4], [sflag:$0x2] =	stream.linear.gather [spmem:s5], $0x1870, $0x38;
	[tilespmem:$0x17840] =	vst v63  }
0x10b: {  	_ =	swait.ge [sflag:s24], $0x1870  }
0x10c: {  	[sflag:s24] =	ssyncset.done $0x0  }
0x10d: {  	s0 =	rddreg [dreg:$0xd];
	[sflag:s24] =	ssyncadd.s32 $0xFFFFE790  }
0x10e: {  	[hbm4b:s0+s9] =	stream.linear.scatter [tilespmem:s4], [sflag:$0x2], $0x1870, $0x38;
	[tilespmem:$0x17840] =	vst v63  }
0x10f: {  	_ =	swait.ge [sflag:s24], $0x1870  }
0x110: {  	[sflag:s24] =	ssyncset.done $0x0  }
0x111: {  	s7 =	rddreg [dreg:$0xa];
	[sflag:s24] =	ssyncadd.s32 $0xFFFFE790  }
0x112: {  	[tilespmem:s4], [sflag:$0x2] =	stream.linear.gather [spmem:s7], $0x1870, $0x38;
	[tilespmem:$0x17840] =	vst v63  }
0x113: {  	_ =	swait.ge [sflag:s24], $0x1870  }
0x114: {  	[sflag:s24] =	ssyncset.done $0x0  }
0x115: {  	s15 =	rddreg [dreg:$0xe];
	[sflag:s24] =	ssyncadd.s32 $0xFFFFE790  }
0x116: {  	[hbm4b:s15+s9] =	stream.linear.scatter [tilespmem:s4], [sflag:$0x2], $0x1870, $0x38;
	[tilespmem:$0x17840] =	vst v63  }
0x117: {  	_ =	swait.ge [sflag:s24], $0x1870  }
0x118: {  	[sflag:s24] =	ssyncset.done $0x0  }
0x119: {  	s8 =	rddreg [dreg:$0xb];
	[sflag:s24] =	ssyncadd.s32 $0xFFFFE790  }
0x11a: {  	[tilespmem:s4], [sflag:$0x2] =	stream.linear.gather [spmem:s8], $0x1870, $0x38;
	[tilespmem:$0x17840] =	vst v63  }
0x11b: {  	_ =	swait.ge [sflag:s24], $0x1870  }
0x11c: {  	[sflag:s24] =	ssyncset.done $0x0  }
0x11d: {  	s23 =	rddreg [dreg:$0xf];
	[sflag:s24] =	ssyncadd.s32 $0xFFFFE790  }
0x11e: {  	[hbm4b:s23+s9] =	stream.linear.scatter [tilespmem:s4], [sflag:$0x2], $0x1870, $0x38;
	[tilespmem:$0x17840] =	vst v63  }
0x11f: {  	_ =	swait.ge [sflag:s24], $0x1870  }
0x120: {  	[sflag:s24] =	ssyncset.done $0x0  }
0x121: {  	s15 =	rddreg [dreg:$0xc];
	[sflag:s24] =	ssyncadd.s32 $0xFFFFE790  }
0x122: {  	[tilespmem:s4], [sflag:$0x2] =	stream.linear.gather [spmem:s15], $0x1870, $0x38;
	[tilespmem:$0x17840] =	vst v63  }
0x123: {  	_ =	swait.ge [sflag:s24], $0x1870  }
0x124: {  	[sflag:s24] =	ssyncset.done $0x0  }
0x125: {  	s2 =	rddreg [dreg:$0x10];
	[sflag:s24] =	ssyncadd.s32 $0xFFFFE790  }
0x126: {  	[hbm4b:s2+s9] =	stream.linear.scatter [tilespmem:s4], [sflag:$0x2], $0x1870, $0x38;
	[tilespmem:$0x17840] =	vst v63  }
0x127: {  	_ =	swait.ge [sflag:s24], $0x1870  }
0x128: {  	s2 =	rddreg [dreg:$0x12]  }
0x129: {  	s23 =	rddreg [dreg:$0x11];
	s2 =	sadd.s32 $0x1, s2  }
0x12a: {  	p0 =	sne.s32 s2, s23  }
.Ltmp3:
0x12b: {  	_ = 	snop;
	(pc) =	sbr.rel @p0 .LBB2_1-.Ltmp3, $3  }
0x12c: {  	_ =	sdelay $0x1  }
0x12d: {  	[sflag:s24] =	ssyncset.done $0x0  }
0x12e: {  	[sflag:s24] =	ssyncadd.s32 $0xFFFFE790  }
0x12f: {  	_ =	sfence.sel $0x180000  }
0x130: {  	[bflag:$0x0] =	sbarrier.arrive $0xFFFF  }
0x131: {  	_ =	strace $0x90000047  }
0x132: {  	s0 =	stileid.u32;
	[bflag:$0x2] =	sbarrier.arrive $0xFFFF  }
0x133: {  	p0 =	sne.s32 s0, $0x0;
	s0 =	rddreg [dreg:$0x8]  }
0x134: {  	s0 =	sadd.s32 @!p0 $0x100000, s0  }
0x135: {  	[sflag:s0] =	ssyncadd.tile.s32 @!p0 $0x1;
	_ =	shalt  }
.Lfunc_end2:
_tile_overlayer_lowered:
.L_overlay_start_2:
0x136: {  	(tag) =	ssettag $0x2  }
0x137: {  	s0 =	rddreg [dreg:$0x0];
	s2 =	stileid.u32  }
0x138: {  	s1 =	rddreg [dreg:$0x1];
	p0 =	sne.s32 s2, $0x0  }
0x139: {  	s3 =	rddreg [dreg:$0x2];
	[bflag:$0x3] =	sbarrier.arrive $0xFFFF;
	s2 =	simm.s32 @!p0 $0x1C02  }
0x13a: {  	[timem:s3], [sflag:s2] =	dma.local @!p0 [hbm:s0], s1  }
0x13b: {  	s0 =	simm.s32 @!p0 $0x2  }
0x13c: {  	_ =	swait.ge @!p0 [sflag:s0], s1  }
0x13d: {  	s1 =	ssub.s32 @!p0 $0x0, s1;
	[sflag:s0] =	ssyncset.done @!p0 $0x0  }
0x13e: {  	[sflag:s0] =	ssyncadd.s32 @!p0 s1  }
0x13f: {  	[bflag:$0x3] =	sbarrier.arrive $0xFFFF  }
0x140: {  	_ =	shalt  }

</sc_bundles>
